<compile_context>
chip_gen: v7x
topology: tpu7x:2x2x1
jax: 0.10.2.dev20260603
libtpu: 0.0.44.dev20260713+nightly
codegen_flags: <defaults>
</compile_context>

<pallas_src>
import functools

import jax
import jax.numpy as jnp
from jax import lax
from jax.experimental import pallas as pl
from jax.experimental.pallas import tpu as pltpu
from jax.experimental.pallas import tpu_sc as plsc

_NS = 16
_L = 16

_NEG = -3.0e38
_POS = 3.0e38

_DN1 = (((1,), (1,)), ((), ()))


def _mm(x, w_ref):
    return lax.dot_general(x, w_ref[...], _DN1,
                           preferred_element_type=jnp.float32)


def _main_body(x_ref, w1_ref, b1_ref, wa_ref, ba_ref, wb_ref, bb_ref,
               wc_ref, bc_ref, wcls_ref, bcls_ref,
               a_out_ref, sc_out_ref, preds_ref,
               m_ref, s_ref, num_ref):
    i = pl.program_id(0)
    k = pl.num_programs(0)

    @pl.when(i == 0)
    def _():
        m_ref[0] = jnp.float32(_NEG)
        s_ref[0] = jnp.float32(0.0)
        num_ref[...] = jnp.zeros_like(num_ref)

    hf = jnp.maximum(_mm(x_ref[...], w1_ref) + b1_ref[...], 0.0)
    a = jnp.tanh(_mm(hf, wa_ref) + ba_ref[...])
    g = jax.nn.sigmoid(_mm(hf, wb_ref) + bb_ref[...])
    att = _mm(wc_ref[...], a * g) + bc_ref[...]
    scores = _mm(wcls_ref[...], hf) + bcls_ref[...]
    pad = a_out_ref.shape[1] - att.shape[1]
    a_out_ref[...] = jnp.concatenate(
        [att, jnp.full((1, pad), _NEG, jnp.float32)], axis=1)
    sc_out_ref[...] = jnp.concatenate(
        [scores, jnp.zeros((2, pad), jnp.float32)], axis=1)

    m_old = m_ref[0]
    m_new = jnp.maximum(m_old, jnp.max(att))
    c = jnp.exp(m_old - m_new)
    e = jnp.exp(att - m_new)
    s_ref[0] = s_ref[0] * c + jnp.sum(e)
    num_ref[...] = num_ref[...] * c + jnp.sum(scores * e, axis=1,
                                              keepdims=True)
    m_ref[0] = m_new

    @pl.when(i == k - 1)
    def _():
        preds_ref[...] = num_ref[...] / s_ref[0]


def _merge_top(tv, ti, xs, ixs):
    take = xs > tv
    tv2 = jnp.where(take, xs, tv)
    ti2 = jnp.where(take, ixs, ti)
    return plsc.sort_key_val(tv2, ti2, descending=True)


def _merge_bot(bv, bi, xs, ixs):
    take = xs < bv
    bv2 = jnp.where(take, xs, bv)
    bi2 = jnp.where(take, ixs, bi)
    return plsc.sort_key_val(bv2, bi2, descending=False)


def _make_topk_gather(blk, pblk, chunk, d):
    mesh = plsc.VectorSubcoreMesh(core_axis_name="c", subcore_axis_name="s",
                                  num_cores=1)
    nc = _NS * _L

    @functools.partial(
        pl.kernel,
        out_type=jax.ShapeDtypeStruct((_L, d), jnp.float32),
        mesh=mesh,
        scratch_types=[pltpu.VMEM((chunk,), jnp.float32),
                       pltpu.VMEM((_L,), jnp.float32),
                       pltpu.VMEM((_L,), jnp.int32),
                       pltpu.VMEM_SHARED((2 * nc,), jnp.float32),
                       pltpu.VMEM_SHARED((2 * nc,), jnp.int32),
                       pltpu.VMEM((2 * nc,), jnp.float32),
                       pltpu.VMEM((2 * nc,), jnp.int32),
                       pltpu.VMEM((2 * _L,), jnp.int32),
                       pltpu.VMEM((_L,), jnp.int32),
                       pltpu.VMEM((_L, d), jnp.float32),
                       pltpu.SemaphoreType.DMA],
        compiler_params=pltpu.CompilerParams(needs_layout_passes=False),
    )
    def topk_gather(a_hbm, h_hbm, out_hbm, a_v, st_v, st_i,
                    sh_f, sh_i, cf_v, ci_v, idx_v, idx8_v, rows_v, sem):
        core = lax.axis_index("c")
        sub = lax.axis_index("s")

        @pl.when(core == 0)
        def _():
            base = sub * chunk
            pltpu.sync_copy(a_hbm.at[pl.ds(base, chunk)], a_v)
            iota = lax.iota(jnp.int32, _L)

            def body(j, carry):
                tv, ti, bv, bi = carry
                x = a_v[pl.ds(j * _L, _L)]
                p = base + j * _L + iota
                blki = p // pblk
                valid = (p - blki * pblk) < blk
                gidx = p - (pblk - blk) * blki
                xt = jnp.where(valid, x, _NEG)
                xb = jnp.where(valid, x, _POS)
                xts, its = plsc.sort_key_val(xt, gidx)
                tv, ti = _merge_top(tv, ti, xts, its)
                xbs, ibs = plsc.sort_key_val(xb, gidx, descending=True)
                bv, bi = _merge_bot(bv, bi, xbs, ibs)
                return tv, ti, bv, bi

            init = (jnp.full((_L,), _NEG, jnp.float32),
                    jnp.zeros((_L,), jnp.int32),
                    jnp.full((_L,), _POS, jnp.float32),
                    jnp.zeros((_L,), jnp.int32))
            tv, ti, bv, bi = lax.fori_loop(0, chunk // _L, body, init)

            st_v[...] = tv
            pltpu.sync_copy(st_v, sh_f.at[pl.ds(sub * _L, _L)])
            st_i[...] = ti
            pltpu.sync_copy(st_i, sh_i.at[pl.ds(sub * _L, _L)])
            st_v[...] = bv
            pltpu.sync_copy(st_v, sh_f.at[pl.ds(nc + sub * _L, _L)])
            st_i[...] = bi
            pltpu.sync_copy(st_i, sh_i.at[pl.ds(nc + sub * _L, _L)])

        plsc.subcore_barrier()

        @pl.when((core == 0) & (sub == 0))
        def _():
            pltpu.sync_copy(sh_f, cf_v)
            pltpu.sync_copy(sh_i, ci_v)

            def body_t(r, carry):
                tv, ti = carry
                xs, ixs = plsc.sort_key_val(cf_v[pl.ds(r * _L, _L)],
                                            ci_v[pl.ds(r * _L, _L)])
                return _merge_top(tv, ti, xs, ixs)

            def body_b(r, carry):
                bv, bi = carry
                xs, ixs = plsc.sort_key_val(cf_v[pl.ds(nc + r * _L, _L)],
                                            ci_v[pl.ds(nc + r * _L, _L)],
                                            descending=True)
                return _merge_bot(bv, bi, xs, ixs)

            init_t = plsc.sort_key_val(cf_v[pl.ds(0, _L)],
                                       ci_v[pl.ds(0, _L)], descending=True)
            tv, ti = lax.fori_loop(1, _NS, body_t, init_t)
            init_b = plsc.sort_key_val(cf_v[pl.ds(nc, _L)],
                                       ci_v[pl.ds(nc, _L)], descending=False)
            bv, bi = lax.fori_loop(1, _NS, body_b, init_b)

            idx_v[pl.ds(0, _L)] = ti
            idx_v[pl.ds(8, _L)] = bi
            idx8_v[...] = idx_v[pl.ds(0, _L)]
            pltpu.async_copy(h_hbm.at[idx8_v], rows_v, sem).wait()
            pltpu.sync_copy(rows_v, out_hbm)

    return topk_gather


def _loss_body(hs_ref, w1_ref, b1_ref, wi0_ref, bi0_ref, wi1_ref, bi1_ref,
               lbl_ref, loss_ref):
    hs = hs_ref[...]
    hf = jnp.maximum(_mm(hs, w1_ref) + b1_ref[...], 0.0)

    rows = lax.broadcasted_iota(jnp.int32, (_L, 1), 0)
    is_top = (rows < 8).astype(jnp.float32)

    def ce(w_ref, b_ref):
        logits = _mm(hf, w_ref) + b_ref[...]
        l0 = logits[:, 0:1]
        l1 = logits[:, 1:2]
        m = jnp.maximum(l0, l1)
        lse = m + jnp.log(jnp.exp(l0 - m) + jnp.exp(l1 - m))
        lt = is_top * l1 + (1.0 - is_top) * l0
        return jnp.sum(lse - lt) / 16.0

    loss0 = ce(wi0_ref, bi0_ref)
    loss1 = ce(wi1_ref, bi1_ref)
    wl = (lbl_ref[0] == 1).astype(jnp.float32)
    loss_ref[0] = (1.0 - wl) * loss0 + wl * loss1


def kernel(h, label, W1, b1, Wa, ba, Wb, bb, Wc, bc, Wcls, bcls,
           Wi0, bi0, Wi1, bi1):
    n = h.shape[1]
    d = h.shape[2]
    x = h.reshape(n, d)

    blk = 2000
    assert n % blk == 0
    grid = n // blk
    pblk = 2048

    b1r = b1.reshape(1, -1)
    bar = ba.reshape(1, -1)
    bbr = bb.reshape(1, -1)
    wcr = Wc.reshape(1, -1)
    bcr = bc.reshape(1, 1)
    bclsr = bcls.reshape(-1, 1)

    full = lambda s: pl.BlockSpec(s, lambda i: (0, 0))
    a_raw, scores, preds = pl.pallas_call(
        _main_body,
        grid=(grid,),
        in_specs=[
            pl.BlockSpec((blk, d), lambda i: (i, 0)),
            full((512, d)), full((1, 512)),
            full((256, 512)), full((1, 256)),
            full((256, 512)), full((1, 256)),
            full((1, 256)), full((1, 1)),
            full((2, 512)), full((2, 1)),
        ],
        out_specs=[
            pl.BlockSpec((1, pblk), lambda i: (0, i)),
            pl.BlockSpec((2, pblk), lambda i: (0, i)),
            pl.BlockSpec((2, 1), lambda i: (0, 0)),
        ],
        out_shape=[
            jax.ShapeDtypeStruct((1, grid * pblk), jnp.float32),
            jax.ShapeDtypeStruct((2, grid * pblk), jnp.float32),
            jax.ShapeDtypeStruct((2, 1), jnp.float32),
        ],
        scratch_shapes=[
            pltpu.SMEM((1,), jnp.float32),
            pltpu.SMEM((1,), jnp.float32),
            pltpu.VMEM((2, 1), jnp.float32),
        ],
    )(x, W1, b1r, Wa, bar, Wb, bbr, wcr, bcr, Wcls, bclsr)

    pad_n = grid * pblk
    assert pad_n % (_NS * _L) == 0
    chunk = pad_n // _NS
    a_pad = a_raw.reshape(pad_n)

    h_sel = _make_topk_gather(blk, pblk, chunk, d)(a_pad, x)

    loss = pl.pallas_call(
        _loss_body,
        in_specs=[
            pl.BlockSpec((_L, d), lambda: (0, 0)),
            pl.BlockSpec((512, d), lambda: (0, 0)),
            pl.BlockSpec((1, 512), lambda: (0, 0)),
            pl.BlockSpec((2, 512), lambda: (0, 0)),
            pl.BlockSpec((1, 2), lambda: (0, 0)),
            pl.BlockSpec((2, 512), lambda: (0, 0)),
            pl.BlockSpec((1, 2), lambda: (0, 0)),
            pl.BlockSpec(memory_space=pltpu.SMEM),
        ],
        out_specs=pl.BlockSpec(memory_space=pltpu.SMEM),
        out_shape=jax.ShapeDtypeStruct((1,), jnp.float32),
    )(h_sel, W1, b1r, Wi0, bi0.reshape(1, -1),
      Wi1, bi1.reshape(1, -1), label)

    a_leaf = a_raw.reshape(grid, pblk)[:, :blk].reshape(n, 1)
    s_leaf = scores.reshape(2, grid, pblk)[:, :, :blk].reshape(2, n).T
    return (preds.reshape(1, 2), s_leaf, a_leaf, loss.reshape(()))

# --- scband reference (transcript-rebuilt; emitter-appended) ---
"""Pipeline reference for scband-clam-instance-3427383902752 (READ-ONLY COPY).

The authoritative reference and input builder live on the scoring server;
editing this copy changes nothing except your own understanding.
"""

import jax, jax.numpy as jnp
import numpy as np


def setup_inputs(seed: int = 0) -> dict:
    key = jax.random.key(seed)
    ks = jax.random.split(key, 16)
    N = 50000
    s = 0.02
    inp = {
        "h": jax.random.normal(ks[0], (1, N, 1024), dtype=jnp.float32),
        "label": jax.random.randint(ks[1], (1,), 0, 2),
        "W1": jax.random.normal(ks[2], (512, 1024), dtype=jnp.float32) * s,
        "b1": jnp.zeros((512,), dtype=jnp.float32),
        "Wa": jax.random.normal(ks[3], (256, 512), dtype=jnp.float32) * s,
        "ba": jnp.zeros((256,), dtype=jnp.float32),
        "Wb": jax.random.normal(ks[4], (256, 512), dtype=jnp.float32) * s,
        "bb": jnp.zeros((256,), dtype=jnp.float32),
        "Wc": jax.random.normal(ks[5], (1, 256), dtype=jnp.float32) * s,
        "bc": jnp.zeros((1,), dtype=jnp.float32),
        "Wcls": jax.random.normal(ks[6], (2, 512), dtype=jnp.float32) * s,
        "bcls": jnp.zeros((2,), dtype=jnp.float32),
        "Wi0": jax.random.normal(ks[7], (2, 512), dtype=jnp.float32) * s,
        "bi0": jnp.zeros((2,), dtype=jnp.float32),
        "Wi1": jax.random.normal(ks[8], (2, 512), dtype=jnp.float32) * s,
        "bi1": jnp.zeros((2,), dtype=jnp.float32),
    }
    return inp


def _ce(logits, targets):
    logp = jax.nn.log_softmax(logits, axis=-1)
    return -jnp.mean(logp[jnp.arange(logits.shape[0]), targets])


def _inst_eval(A_tp, hf, W, b, k_sample):
    # A_tp: [1, N] softmaxed attention, hf: [N, 512]
    _, p_ids = jax.lax.top_k(A_tp, k_sample)
    top_p = hf[p_ids[-1]]
    _, n_ids = jax.lax.top_k(-A_tp, k_sample)
    top_n = hf[n_ids[-1]]
    all_instances = jnp.concatenate([top_p, top_n], axis=0)
    p_targets = jnp.ones((k_sample,), dtype=jnp.int32)
    n_targets = jnp.zeros((k_sample,), dtype=jnp.int32)
    all_targets = jnp.concatenate([p_targets, n_targets], axis=0)
    logits = all_instances @ W.T + b
    return _ce(logits, all_targets)


def reference(h, label, W1, b1, Wa, ba, Wb, bb, Wc, bc, Wcls, bcls, Wi0, bi0, Wi1, bi1):
    k_sample = 8
    n_classes = 2
    x = jnp.squeeze(h, axis=0)  # [N, 1024]
    hf = jax.nn.relu(x @ W1.T + b1)  # [N, 512]
    # gated attention (AttentionGated): tanh branch * sigmoid branch -> linear
    a = jnp.tanh(hf @ Wa.T + ba)
    g = jax.nn.sigmoid(hf @ Wb.T + bb)
    A = (a * g) @ Wc.T + bc  # [N, 1]
    A_raw = A
    A = jax.nn.softmax(A, axis=0)
    A_tp = A.T  # [1, N]
    # instance_eval with n_classes=2, subtyping=False:
    # only classifiers whose one-hot label entry == 1 contribute
    inst_labels = jax.nn.one_hot(label, n_classes)[0]  # [2]
    loss0 = _inst_eval(A_tp, hf, Wi0, bi0, k_sample)
    loss1 = _inst_eval(A_tp, hf, Wi1, bi1, k_sample)
    total_inst_loss = inst_labels[0] * loss0 + inst_labels[1] * loss1
    instance_scores = hf @ Wcls.T + bcls  # [N, 2]
    preds = (instance_scores * A).sum(axis=0) / A.sum(axis=0)
    preds = preds[None, :]  # [1, 2]
    return (preds, instance_scores, A_raw, total_inst_loss)

if __name__ == "__main__":
    import jax
    _d = setup_inputs()
    print(jax.jit(kernel)(*tuple(_d.values())))

</pallas_src>

<mosaic_0001>
#map = affine_map<(d0, d1) -> (0)>
#map1 = affine_map<(d0, d1) -> (0, 0)>
module attributes {stable_mosaic.version = 14 : i64} {
  func.func @topk_gather(%arg0: i32, %arg1: i32, %arg2: memref<51200xf32, #tpu.memory_space<hbm>>, %arg3: memref<50000x1024xf32, #tpu.memory_space<hbm>>, %arg4: memref<16x1024xf32, #tpu.memory_space<hbm>>, %arg5: memref<3200xf32, #tpu.memory_space<vmem>>, %arg6: memref<16xf32, #tpu.memory_space<vmem>>, %arg7: memref<16xi32, #tpu.memory_space<vmem>>, %arg8: memref<512xf32, #tpu.memory_space<vmem_shared>>, %arg9: memref<512xi32, #tpu.memory_space<vmem_shared>>, %arg10: memref<512xf32, #tpu.memory_space<vmem>>, %arg11: memref<512xi32, #tpu.memory_space<vmem>>, %arg12: memref<32xi32, #tpu.memory_space<vmem>>, %arg13: memref<16xi32, #tpu.memory_space<vmem>>, %arg14: memref<16x1024xf32, #tpu.memory_space<vmem>>, %arg15: memref<!tpu.dma_semaphore, #tpu.memory_space<semaphore_mem>>) attributes {dimension_semantics = [#tpu.dimension_semantics<core_parallel>, #tpu.dimension_semantics<subcore_parallel>], iteration_bounds = array<i64: 1, 16>, scalar_prefetch = 0 : i64, scratch_operands = 11 : i64, tpu.core_type = #tpu.core_type<sc_vector_subcore>, window_params = [{transform_indices = #map}, {transform_indices = #map1}, {transform_indices = #map1}]} {
    %eq3A = arith.constant 0 : i32
    %eq3A_0 = arith.cmpi eq, %arg0, %eq3A : i32
    %convert_element_type3A = arith.extui %eq3A_0 : i1 to i32
    %cond3A = arith.constant 0 : i32
    %cond3A_1 = arith.cmpi ne, %convert_element_type3A, %cond3A : i32
    scf.if %cond3A_1 {
      %mul3A = arith.constant 3200 : i32
      %mul3A_9 = arith.muli %arg1, %mul3A : i32
      "tpu.region"() ({
        %run_scoped3A = tpu.sem_alloc : memref<!tpu.dma_semaphore, #tpu.memory_space<semaphore_mem>>
        %dma_start3A = tpu.memref_slice %arg2[%mul3A_9] : memref<51200xf32, #tpu.memory_space<hbm>> -> memref<3200xf32, #tpu.memory_space<hbm>>
        %dma_start3A_40 = tpu.memref_slice %arg2[%mul3A_9] : memref<51200xf32, #tpu.memory_space<hbm>> -> memref<3200xf32, #tpu.memory_space<hbm>>
        tpu.enqueue_dma source(%dma_start3A_40 : memref<3200xf32, #tpu.memory_space<hbm>>) target(%arg5 : memref<3200xf32, #tpu.memory_space<vmem>>) target_semaphore(%run_scoped3A : memref<!tpu.dma_semaphore, #tpu.memory_space<semaphore_mem>>)
        %dma_wait3A = tpu.memref_slice %arg2[%mul3A_9] : memref<51200xf32, #tpu.memory_space<hbm>> -> memref<3200xf32, #tpu.memory_space<hbm>>
        %dma_wait3A_41 = tpu.memref_slice %arg2[%mul3A_9] : memref<51200xf32, #tpu.memory_space<hbm>> -> memref<3200xf32, #tpu.memory_space<hbm>>
        tpu.wait_dma2 semaphore(%run_scoped3A : memref<!tpu.dma_semaphore, #tpu.memory_space<semaphore_mem>>) src(%dma_wait3A_41 : memref<3200xf32, #tpu.memory_space<hbm>>) dst(%arg5 : memref<3200xf32, #tpu.memory_space<vmem>>)
        tpu.yield
      }) : () -> ()
      %iota3A = tpu.iota {dimensions = array<i32: 0>} : vector<16xi32>
      %broadcast_in_dim3A = arith.constant -3.000000e+38 : f32
      %broadcast_in_dim3A_10 = vector.broadcast %broadcast_in_dim3A : f32 to vector<16xf32>
      %broadcast_in_dim3A_11 = arith.constant 0 : i32
      %broadcast_in_dim3A_12 = vector.broadcast %broadcast_in_dim3A_11 : i32 to vector<16xi32>
      %broadcast_in_dim3A_13 = arith.constant 3.000000e+38 : f32
      %broadcast_in_dim3A_14 = vector.broadcast %broadcast_in_dim3A_13 : f32 to vector<16xf32>
      %broadcast_in_dim3A_15 = arith.constant 0 : i32
      %broadcast_in_dim3A_16 = vector.broadcast %broadcast_in_dim3A_15 : i32 to vector<16xi32>
      %scan3A = arith.constant 0 : i32
      %scan3A_17 = arith.constant 200 : i32
      %scan3A_18 = arith.addi %scan3A, %scan3A_17 : i32
      %scan3A_19 = arith.constant 1 : i32
      %scan3A_20:4 = scf.for %scan3A_40 = %scan3A to %scan3A_18 step %scan3A_19 iter_args(%scan3A_41 = %broadcast_in_dim3A_10, %scan3A_42 = %broadcast_in_dim3A_12, %scan3A_43 = %broadcast_in_dim3A_14, %scan3A_44 = %broadcast_in_dim3A_16) -> (vector<16xf32>, vector<16xi32>, vector<16xf32>, vector<16xi32>)  : i32 {
        %mul3A_45 = arith.constant 16 : i32
        %mul3A_46 = arith.muli %scan3A_40, %mul3A_45 : i32
        %get3A = arith.index_cast %mul3A_46 : i32 to index
        %get3A_47 = tpu.vector_load %arg5[%get3A] {strides = array<i32>} : memref<3200xf32, #tpu.memory_space<vmem>>, vector<16xf32>,
        %mul3A_48 = arith.constant 16 : i32
        %mul3A_49 = arith.muli %scan3A_40, %mul3A_48 : i32
        %add3A_50 = arith.addi %mul3A_9, %mul3A_49 : i32
        %add3A_51 = vector.broadcast %add3A_50 : i32 to vector<16xi32>
        %add3A_52 = arith.addi %add3A_51, %iota3A : vector<16xi32>
        %jit3A = arith.constant 2048 : i32
        %div3A = vector.broadcast %jit3A : i32 to vector<16xi32>
        %div3A_53 = arith.divsi %add3A_52, %div3A : vector<16xi32>
        %sign3A = arith.constant 0 : i32
        %sign3A_54 = vector.broadcast %sign3A : i32 to vector<16xi32>
        %sign3A_55 = arith.cmpi sgt, %add3A_52, %sign3A_54 : vector<16xi32>
        %sign3A_56 = arith.extui %sign3A_55 : vector<16xi1> to vector<16xi32>
        %sign3A_57 = arith.constant 0 : i32
        %sign3A_58 = vector.broadcast %sign3A_57 : i32 to vector<16xi32>
        %sign3A_59 = arith.cmpi slt, %add3A_52, %sign3A_58 : vector<16xi32>
        %sign3A_60 = arith.extui %sign3A_59 : vector<16xi1> to vector<16xi32>
        %sign3A_61 = arith.subi %sign3A_56, %sign3A_60 : vector<16xi32>
        %sign3A_62 = arith.constant 0 : i32
        %sign3A_63 = arith.cmpi sgt, %jit3A, %sign3A_62 : i32
        %sign3A_64 = arith.extui %sign3A_63 : i1 to i32
        %sign3A_65 = arith.constant 0 : i32
        %sign3A_66 = arith.cmpi slt, %jit3A, %sign3A_65 : i32
        %sign3A_67 = arith.extui %sign3A_66 : i1 to i32
        %sign3A_68 = arith.subi %sign3A_64, %sign3A_67 : i32
        %ne3A = vector.broadcast %sign3A_68 : i32 to vector<16xi32>
        %ne3A_69 = arith.cmpi ne, %sign3A_61, %ne3A : vector<16xi32>
        %rem3A = vector.broadcast %jit3A : i32 to vector<16xi32>
        %rem3A_70 = arith.remsi %add3A_52, %rem3A : vector<16xi32>
        %ne3A_71 = arith.constant 0 : i32
        %ne3A_72 = vector.broadcast %ne3A_71 : i32 to vector<16xi32>
        %ne3A_73 = arith.cmpi ne, %rem3A_70, %ne3A_72 : vector<16xi32>
        %and3A_74 = arith.andi %ne3A_69, %ne3A_73 : vector<16xi1>
        %sub3A = arith.constant 1 : i32
        %sub3A_75 = vector.broadcast %sub3A : i32 to vector<16xi32>
        %sub3A_76 = arith.subi %div3A_53, %sub3A_75 : vector<16xi32>
        %select_n3A = arith.select %and3A_74, %sub3A_76, %div3A_53 : vector<16xi1>, vector<16xi32>
        %mul3A_77 = arith.constant 2048 : i32
        %mul3A_78 = vector.broadcast %mul3A_77 : i32 to vector<16xi32>
        %mul3A_79 = arith.muli %select_n3A, %mul3A_78 : vector<16xi32>
        %sub3A_80 = arith.subi %add3A_52, %mul3A_79 : vector<16xi32>
        %lt3A = arith.constant 2000 : i32
        %lt3A_81 = vector.broadcast %lt3A : i32 to vector<16xi32>
        %lt3A_82 = arith.cmpi slt, %sub3A_80, %lt3A_81 : vector<16xi32>
        %mul3A_83 = arith.constant 48 : i32
        %mul3A_84 = vector.broadcast %mul3A_83 : i32 to vector<16xi32>
        %mul3A_85 = arith.muli %mul3A_84, %select_n3A : vector<16xi32>
        %sub3A_86 = arith.subi %add3A_52, %mul3A_85 : vector<16xi32>
        %jit3A_87 = arith.constant -3.000000e+38 : f32
        %broadcast_in_dim3A_88 = vector.broadcast %jit3A_87 : f32 to vector<16xf32>
        %select_n3A_89 = arith.select %lt3A_82, %get3A_47, %broadcast_in_dim3A_88 : vector<16xi1>, vector<16xf32>
        %jit3A_90 = arith.constant 3.000000e+38 : f32
        %broadcast_in_dim3A_91 = vector.broadcast %jit3A_90 : f32 to vector<16xf32>
        %select_n3A_92 = arith.select %lt3A_82, %get3A_47, %broadcast_in_dim3A_91 : vector<16xi1>, vector<16xf32>
        %masked_sort3A = arith.constant dense<true> : vector<16xi1>
        %masked_sort3A_93, %masked_sort3A_94, %masked_sort3A_95 = tpu.sort %select_n3A_89, %sub3A_86 masked %masked_sort3A : (vector<16xf32>, vector<16xi32>, vector<16xi1>) -> (vector<16xi1>, vector<16xf32>, vector<16xi32>)
        %gt3A = arith.cmpf ogt, %masked_sort3A_94, %scan3A_41 : vector<16xf32>
        %select_n3A_96 = arith.select %gt3A, %masked_sort3A_94, %scan3A_41 : vector<16xi1>, vector<16xf32>
        %select_n3A_97 = arith.select %gt3A, %masked_sort3A_95, %scan3A_42 : vector<16xi1>, vector<16xi32>
        %masked_sort3A_98 = arith.constant dense<true> : vector<16xi1>
        %masked_sort3A_99, %masked_sort3A_100, %masked_sort3A_101 = tpu.sort %select_n3A_96, %select_n3A_97 masked %masked_sort3A_98 {descending = true} : (vector<16xf32>, vector<16xi32>, vector<16xi1>) -> (vector<16xi1>, vector<16xf32>, vector<16xi32>)
        %masked_sort3A_102 = arith.constant dense<true> : vector<16xi1>
        %masked_sort3A_103, %masked_sort3A_104, %masked_sort3A_105 = tpu.sort %select_n3A_92, %sub3A_86 masked %masked_sort3A_102 {descending = true} : (vector<16xf32>, vector<16xi32>, vector<16xi1>) -> (vector<16xi1>, vector<16xf32>, vector<16xi32>)
        %lt3A_106 = arith.cmpf olt, %masked_sort3A_104, %scan3A_43 : vector<16xf32>
        %select_n3A_107 = arith.select %lt3A_106, %masked_sort3A_104, %scan3A_43 : vector<16xi1>, vector<16xf32>
        %select_n3A_108 = arith.select %lt3A_106, %masked_sort3A_105, %scan3A_44 : vector<16xi1>, vector<16xi32>
        %masked_sort3A_109 = arith.constant dense<true> : vector<16xi1>
        %masked_sort3A_110, %masked_sort3A_111, %masked_sort3A_112 = tpu.sort %select_n3A_107, %select_n3A_108 masked %masked_sort3A_109 : (vector<16xf32>, vector<16xi32>, vector<16xi1>) -> (vector<16xi1>, vector<16xf32>, vector<16xi32>)
        scf.yield %masked_sort3A_100, %masked_sort3A_101, %masked_sort3A_111, %masked_sort3A_112 : vector<16xf32>, vector<16xi32>, vector<16xf32>, vector<16xi32>
      }
      %scan3A_21 = arith.constant 200 : i32
      %swap3A = arith.constant 0 : index
      %swap3A_22 = tpu.vector_load %arg6[%swap3A] {strides = array<i32>} : memref<16xf32, #tpu.memory_space<vmem>>, vector<16xf32>,
      tpu.vector_store %arg6[%swap3A], %scan3A_20#0 {strides = array<i32>} : memref<16xf32, #tpu.memory_space<vmem>>, vector<16xf32>,
      %mul3A_23 = arith.constant 16 : i32
      %mul3A_24 = arith.muli %arg1, %mul3A_23 : i32
      "tpu.region"() ({
        %run_scoped3A = tpu.sem_alloc : memref<!tpu.dma_semaphore, #tpu.memory_space<semaphore_mem>>
        %dma_start3A = tpu.memref_slice %arg8[%mul3A_24] : memref<512xf32, #tpu.memory_space<vmem_shared>> -> memref<16xf32, #tpu.memory_space<vmem_shared>>
        %dma_start3A_40 = tpu.memref_slice %arg8[%mul3A_24] : memref<512xf32, #tpu.memory_space<vmem_shared>> -> memref<16xf32, #tpu.memory_space<vmem_shared>>
        tpu.enqueue_dma source(%arg6 : memref<16xf32, #tpu.memory_space<vmem>>) target(%dma_start3A_40 : memref<16xf32, #tpu.memory_space<vmem_shared>>) target_semaphore(%run_scoped3A : memref<!tpu.dma_semaphore, #tpu.memory_space<semaphore_mem>>)
        %dma_wait3A = tpu.memref_slice %arg8[%mul3A_24] : memref<512xf32, #tpu.memory_space<vmem_shared>> -> memref<16xf32, #tpu.memory_space<vmem_shared>>
        %dma_wait3A_41 = tpu.memref_slice %arg8[%mul3A_24] : memref<512xf32, #tpu.memory_space<vmem_shared>> -> memref<16xf32, #tpu.memory_space<vmem_shared>>
        tpu.wait_dma2 semaphore(%run_scoped3A : memref<!tpu.dma_semaphore, #tpu.memory_space<semaphore_mem>>) src(%arg6 : memref<16xf32, #tpu.memory_space<vmem>>) dst(%dma_wait3A_41 : memref<16xf32, #tpu.memory_space<vmem_shared>>)
        tpu.yield
      }) : () -> ()
      %swap3A_25 = arith.constant 0 : index
      %swap3A_26 = tpu.vector_load %arg7[%swap3A_25] {strides = array<i32>} : memref<16xi32, #tpu.memory_space<vmem>>, vector<16xi32>,
      tpu.vector_store %arg7[%swap3A_25], %scan3A_20#1 {strides = array<i32>} : memref<16xi32, #tpu.memory_space<vmem>>, vector<16xi32>,
      %mul3A_27 = arith.constant 16 : i32
      %mul3A_28 = arith.muli %arg1, %mul3A_27 : i32
      "tpu.region"() ({
        %run_scoped3A = tpu.sem_alloc : memref<!tpu.dma_semaphore, #tpu.memory_space<semaphore_mem>>
        %dma_start3A = tpu.memref_slice %arg9[%mul3A_28] : memref<512xi32, #tpu.memory_space<vmem_shared>> -> memref<16xi32, #tpu.memory_space<vmem_shared>>
        %dma_start3A_40 = tpu.memref_slice %arg9[%mul3A_28] : memref<512xi32, #tpu.memory_space<vmem_shared>> -> memref<16xi32, #tpu.memory_space<vmem_shared>>
        tpu.enqueue_dma source(%arg7 : memref<16xi32, #tpu.memory_space<vmem>>) target(%dma_start3A_40 : memref<16xi32, #tpu.memory_space<vmem_shared>>) target_semaphore(%run_scoped3A : memref<!tpu.dma_semaphore, #tpu.memory_space<semaphore_mem>>)
        %dma_wait3A = tpu.memref_slice %arg9[%mul3A_28] : memref<512xi32, #tpu.memory_space<vmem_shared>> -> memref<16xi32, #tpu.memory_space<vmem_shared>>
        %dma_wait3A_41 = tpu.memref_slice %arg9[%mul3A_28] : memref<512xi32, #tpu.memory_space<vmem_shared>> -> memref<16xi32, #tpu.memory_space<vmem_shared>>
        tpu.wait_dma2 semaphore(%run_scoped3A : memref<!tpu.dma_semaphore, #tpu.memory_space<semaphore_mem>>) src(%arg7 : memref<16xi32, #tpu.memory_space<vmem>>) dst(%dma_wait3A_41 : memref<16xi32, #tpu.memory_space<vmem_shared>>)
        tpu.yield
      }) : () -> ()
      %swap3A_29 = arith.constant 0 : index
      %swap3A_30 = tpu.vector_load %arg6[%swap3A_29] {strides = array<i32>} : memref<16xf32, #tpu.memory_space<vmem>>, vector<16xf32>,
      tpu.vector_store %arg6[%swap3A_29], %scan3A_20#2 {strides = array<i32>} : memref<16xf32, #tpu.memory_space<vmem>>, vector<16xf32>,
      %mul3A_31 = arith.constant 16 : i32
      %mul3A_32 = arith.muli %arg1, %mul3A_31 : i32
      %add3A = arith.constant 256 : i32
      %add3A_33 = arith.addi %add3A, %mul3A_32 : i32
      "tpu.region"() ({
        %run_scoped3A = tpu.sem_alloc : memref<!tpu.dma_semaphore, #tpu.memory_space<semaphore_mem>>
        %dma_start3A = tpu.memref_slice %arg8[%add3A_33] : memref<512xf32, #tpu.memory_space<vmem_shared>> -> memref<16xf32, #tpu.memory_space<vmem_shared>>
        %dma_start3A_40 = tpu.memref_slice %arg8[%add3A_33] : memref<512xf32, #tpu.memory_space<vmem_shared>> -> memref<16xf32, #tpu.memory_space<vmem_shared>>
        tpu.enqueue_dma source(%arg6 : memref<16xf32, #tpu.memory_space<vmem>>) target(%dma_start3A_40 : memref<16xf32, #tpu.memory_space<vmem_shared>>) target_semaphore(%run_scoped3A : memref<!tpu.dma_semaphore, #tpu.memory_space<semaphore_mem>>)
        %dma_wait3A = tpu.memref_slice %arg8[%add3A_33] : memref<512xf32, #tpu.memory_space<vmem_shared>> -> memref<16xf32, #tpu.memory_space<vmem_shared>>
        %dma_wait3A_41 = tpu.memref_slice %arg8[%add3A_33] : memref<512xf32, #tpu.memory_space<vmem_shared>> -> memref<16xf32, #tpu.memory_space<vmem_shared>>
        tpu.wait_dma2 semaphore(%run_scoped3A : memref<!tpu.dma_semaphore, #tpu.memory_space<semaphore_mem>>) src(%arg6 : memref<16xf32, #tpu.memory_space<vmem>>) dst(%dma_wait3A_41 : memref<16xf32, #tpu.memory_space<vmem_shared>>)
        tpu.yield
      }) : () -> ()
      %swap3A_34 = arith.constant 0 : index
      %swap3A_35 = tpu.vector_load %arg7[%swap3A_34] {strides = array<i32>} : memref<16xi32, #tpu.memory_space<vmem>>, vector<16xi32>,
      tpu.vector_store %arg7[%swap3A_34], %scan3A_20#3 {strides = array<i32>} : memref<16xi32, #tpu.memory_space<vmem>>, vector<16xi32>,
      %mul3A_36 = arith.constant 16 : i32
      %mul3A_37 = arith.muli %arg1, %mul3A_36 : i32
      %add3A_38 = arith.constant 256 : i32
      %add3A_39 = arith.addi %add3A_38, %mul3A_37 : i32
      "tpu.region"() ({
        %run_scoped3A = tpu.sem_alloc : memref<!tpu.dma_semaphore, #tpu.memory_space<semaphore_mem>>
        %dma_start3A = tpu.memref_slice %arg9[%add3A_39] : memref<512xi32, #tpu.memory_space<vmem_shared>> -> memref<16xi32, #tpu.memory_space<vmem_shared>>
        %dma_start3A_40 = tpu.memref_slice %arg9[%add3A_39] : memref<512xi32, #tpu.memory_space<vmem_shared>> -> memref<16xi32, #tpu.memory_space<vmem_shared>>
        tpu.enqueue_dma source(%arg7 : memref<16xi32, #tpu.memory_space<vmem>>) target(%dma_start3A_40 : memref<16xi32, #tpu.memory_space<vmem_shared>>) target_semaphore(%run_scoped3A : memref<!tpu.dma_semaphore, #tpu.memory_space<semaphore_mem>>)
        %dma_wait3A = tpu.memref_slice %arg9[%add3A_39] : memref<512xi32, #tpu.memory_space<vmem_shared>> -> memref<16xi32, #tpu.memory_space<vmem_shared>>
        %dma_wait3A_41 = tpu.memref_slice %arg9[%add3A_39] : memref<512xi32, #tpu.memory_space<vmem_shared>> -> memref<16xi32, #tpu.memory_space<vmem_shared>>
        tpu.wait_dma2 semaphore(%run_scoped3A : memref<!tpu.dma_semaphore, #tpu.memory_space<semaphore_mem>>) src(%arg7 : memref<16xi32, #tpu.memory_space<vmem>>) dst(%dma_wait3A_41 : memref<16xi32, #tpu.memory_space<vmem_shared>>)
        tpu.yield
      }) : () -> ()
    } else {
    }
    %barrier3A = arith.constant 0 : index
    tpu.barrier barrier_id(%barrier3A)
    %eq3A_2 = arith.constant 0 : i32
    %eq3A_3 = arith.cmpi eq, %arg0, %eq3A_2 : i32
    %eq3A_4 = arith.constant 0 : i32
    %eq3A_5 = arith.cmpi eq, %arg1, %eq3A_4 : i32
    %and3A = arith.andi %eq3A_3, %eq3A_5 : i1
    %convert_element_type3A_6 = arith.extui %and3A : i1 to i32
    %cond3A_7 = arith.constant 0 : i32
    %cond3A_8 = arith.cmpi ne, %convert_element_type3A_6, %cond3A_7 : i32
    scf.if %cond3A_8 {
      "tpu.region"() ({
        %run_scoped3A = tpu.sem_alloc : memref<!tpu.dma_semaphore, #tpu.memory_space<semaphore_mem>>
        tpu.enqueue_dma source(%arg8 : memref<512xf32, #tpu.memory_space<vmem_shared>>) target(%arg10 : memref<512xf32, #tpu.memory_space<vmem>>) target_semaphore(%run_scoped3A : memref<!tpu.dma_semaphore, #tpu.memory_space<semaphore_mem>>)
        tpu.wait_dma2 semaphore(%run_scoped3A : memref<!tpu.dma_semaphore, #tpu.memory_space<semaphore_mem>>) src(%arg8 : memref<512xf32, #tpu.memory_space<vmem_shared>>) dst(%arg10 : memref<512xf32, #tpu.memory_space<vmem>>)
        tpu.yield
      }) : () -> ()
      "tpu.region"() ({
        %run_scoped3A = tpu.sem_alloc : memref<!tpu.dma_semaphore, #tpu.memory_space<semaphore_mem>>
        tpu.enqueue_dma source(%arg9 : memref<512xi32, #tpu.memory_space<vmem_shared>>) target(%arg11 : memref<512xi32, #tpu.memory_space<vmem>>) target_semaphore(%run_scoped3A : memref<!tpu.dma_semaphore, #tpu.memory_space<semaphore_mem>>)
        tpu.wait_dma2 semaphore(%run_scoped3A : memref<!tpu.dma_semaphore, #tpu.memory_space<semaphore_mem>>) src(%arg9 : memref<512xi32, #tpu.memory_space<vmem_shared>>) dst(%arg11 : memref<512xi32, #tpu.memory_space<vmem>>)
        tpu.yield
      }) : () -> ()
      %get3A = arith.constant 0 : index
      %get3A_9 = tpu.vector_load %arg10[%get3A] {strides = array<i32>} : memref<512xf32, #tpu.memory_space<vmem>>, vector<16xf32>,
      %get3A_10 = arith.constant 0 : index
      %get3A_11 = tpu.vector_load %arg11[%get3A_10] {strides = array<i32>} : memref<512xi32, #tpu.memory_space<vmem>>, vector<16xi32>,
      %masked_sort3A = arith.constant dense<true> : vector<16xi1>
      %masked_sort3A_12, %masked_sort3A_13, %masked_sort3A_14 = tpu.sort %get3A_9, %get3A_11 masked %masked_sort3A {descending = true} : (vector<16xf32>, vector<16xi32>, vector<16xi1>) -> (vector<16xi1>, vector<16xf32>, vector<16xi32>)
      %scan3A = arith.constant 1 : i32
      %scan3A_15 = arith.constant 15 : i32
      %scan3A_16 = arith.addi %scan3A, %scan3A_15 : i32
      %scan3A_17 = arith.constant 1 : i32
      %scan3A_18:2 = scf.for %scan3A_45 = %scan3A to %scan3A_16 step %scan3A_17 iter_args(%scan3A_46 = %masked_sort3A_13, %scan3A_47 = %masked_sort3A_14) -> (vector<16xf32>, vector<16xi32>)  : i32 {
        %mul3A = arith.constant 16 : i32
        %mul3A_48 = arith.muli %scan3A_45, %mul3A : i32
        %get3A_49 = arith.index_cast %mul3A_48 : i32 to index
        %get3A_50 = tpu.vector_load %arg10[%get3A_49] {strides = array<i32>} : memref<512xf32, #tpu.memory_space<vmem>>, vector<16xf32>,
        %mul3A_51 = arith.constant 16 : i32
        %mul3A_52 = arith.muli %scan3A_45, %mul3A_51 : i32
        %get3A_53 = arith.index_cast %mul3A_52 : i32 to index
        %get3A_54 = tpu.vector_load %arg11[%get3A_53] {strides = array<i32>} : memref<512xi32, #tpu.memory_space<vmem>>, vector<16xi32>,
        %masked_sort3A_55 = arith.constant dense<true> : vector<16xi1>
        %masked_sort3A_56, %masked_sort3A_57, %masked_sort3A_58 = tpu.sort %get3A_50, %get3A_54 masked %masked_sort3A_55 : (vector<16xf32>, vector<16xi32>, vector<16xi1>) -> (vector<16xi1>, vector<16xf32>, vector<16xi32>)
        %gt3A = arith.cmpf ogt, %masked_sort3A_57, %scan3A_46 : vector<16xf32>
        %select_n3A = arith.select %gt3A, %masked_sort3A_57, %scan3A_46 : vector<16xi1>, vector<16xf32>
        %select_n3A_59 = arith.select %gt3A, %masked_sort3A_58, %scan3A_47 : vector<16xi1>, vector<16xi32>
        %masked_sort3A_60 = arith.constant dense<true> : vector<16xi1>
        %masked_sort3A_61, %masked_sort3A_62, %masked_sort3A_63 = tpu.sort %select_n3A, %select_n3A_59 masked %masked_sort3A_60 {descending = true} : (vector<16xf32>, vector<16xi32>, vector<16xi1>) -> (vector<16xi1>, vector<16xf32>, vector<16xi32>)
        scf.yield %masked_sort3A_62, %masked_sort3A_63 : vector<16xf32>, vector<16xi32>
      }
      %scan3A_19 = arith.constant 15 : i32
      %get3A_20 = arith.constant 256 : index
      %get3A_21 = tpu.vector_load %arg10[%get3A_20] {strides = array<i32>} : memref<512xf32, #tpu.memory_space<vmem>>, vector<16xf32>,
      %get3A_22 = arith.constant 256 : index
      %get3A_23 = tpu.vector_load %arg11[%get3A_22] {strides = array<i32>} : memref<512xi32, #tpu.memory_space<vmem>>, vector<16xi32>,
      %masked_sort3A_24 = arith.constant dense<true> : vector<16xi1>
      %masked_sort3A_25, %masked_sort3A_26, %masked_sort3A_27 = tpu.sort %get3A_21, %get3A_23 masked %masked_sort3A_24 : (vector<16xf32>, vector<16xi32>, vector<16xi1>) -> (vector<16xi1>, vector<16xf32>, vector<16xi32>)
      %scan3A_28 = arith.constant 1 : i32
      %scan3A_29 = arith.constant 15 : i32
      %scan3A_30 = arith.addi %scan3A_28, %scan3A_29 : i32
      %scan3A_31 = arith.constant 1 : i32
      %scan3A_32:2 = scf.for %scan3A_45 = %scan3A_28 to %scan3A_30 step %scan3A_31 iter_args(%scan3A_46 = %masked_sort3A_26, %scan3A_47 = %masked_sort3A_27) -> (vector<16xf32>, vector<16xi32>)  : i32 {
        %mul3A = arith.constant 16 : i32
        %mul3A_48 = arith.muli %scan3A_45, %mul3A : i32
        %add3A = arith.constant 256 : i32
        %add3A_49 = arith.addi %add3A, %mul3A_48 : i32
        %get3A_50 = arith.index_cast %add3A_49 : i32 to index
        %get3A_51 = tpu.vector_load %arg10[%get3A_50] {strides = array<i32>} : memref<512xf32, #tpu.memory_space<vmem>>, vector<16xf32>,
        %mul3A_52 = arith.constant 16 : i32
        %mul3A_53 = arith.muli %scan3A_45, %mul3A_52 : i32
        %add3A_54 = arith.constant 256 : i32
        %add3A_55 = arith.addi %add3A_54, %mul3A_53 : i32
        %get3A_56 = arith.index_cast %add3A_55 : i32 to index
        %get3A_57 = tpu.vector_load %arg11[%get3A_56] {strides = array<i32>} : memref<512xi32, #tpu.memory_space<vmem>>, vector<16xi32>,
        %masked_sort3A_58 = arith.constant dense<true> : vector<16xi1>
        %masked_sort3A_59, %masked_sort3A_60, %masked_sort3A_61 = tpu.sort %get3A_51, %get3A_57 masked %masked_sort3A_58 {descending = true} : (vector<16xf32>, vector<16xi32>, vector<16xi1>) -> (vector<16xi1>, vector<16xf32>, vector<16xi32>)
        %lt3A = arith.cmpf olt, %masked_sort3A_60, %scan3A_46 : vector<16xf32>
        %select_n3A = arith.select %lt3A, %masked_sort3A_60, %scan3A_46 : vector<16xi1>, vector<16xf32>
        %select_n3A_62 = arith.select %lt3A, %masked_sort3A_61, %scan3A_47 : vector<16xi1>, vector<16xi32>
        %masked_sort3A_63 = arith.constant dense<true> : vector<16xi1>
        %masked_sort3A_64, %masked_sort3A_65, %masked_sort3A_66 = tpu.sort %select_n3A, %select_n3A_62 masked %masked_sort3A_63 : (vector<16xf32>, vector<16xi32>, vector<16xi1>) -> (vector<16xi1>, vector<16xf32>, vector<16xi32>)
        scf.yield %masked_sort3A_65, %masked_sort3A_66 : vector<16xf32>, vector<16xi32>
      }
      %scan3A_33 = arith.constant 15 : i32
      %swap3A = arith.constant 0 : index
      %swap3A_34 = tpu.vector_load %arg12[%swap3A] {strides = array<i32>} : memref<32xi32, #tpu.memory_space<vmem>>, vector<16xi32>,
      tpu.vector_store %arg12[%swap3A], %scan3A_18#1 {strides = array<i32>} : memref<32xi32, #tpu.memory_space<vmem>>, vector<16xi32>,
      %swap3A_35 = arith.constant 8 : index
      %swap3A_36 = tpu.vector_load %arg12[%swap3A_35] {strides = array<i32>} : memref<32xi32, #tpu.memory_space<vmem>>, vector<16xi32>,
      tpu.vector_store %arg12[%swap3A_35], %scan3A_32#1 {strides = array<i32>} : memref<32xi32, #tpu.memory_space<vmem>>, vector<16xi32>,
      %get3A_37 = arith.constant 0 : index
      %get3A_38 = tpu.vector_load %arg12[%get3A_37] {strides = array<i32>} : memref<32xi32, #tpu.memory_space<vmem>>, vector<16xi32>,
      %swap3A_39 = arith.constant 0 : index
      %swap3A_40 = tpu.vector_load %arg13[%swap3A_39] {strides = array<i32>} : memref<16xi32, #tpu.memory_space<vmem>>, vector<16xi32>,
      tpu.vector_store %arg13[%swap3A_39], %get3A_38 {strides = array<i32>} : memref<16xi32, #tpu.memory_space<vmem>>, vector<16xi32>,
      %dma_start3A = arith.constant 0 : i32
      %dma_start3A_41 = arith.constant 0 : i32
      %dma_start3A_42 = tpu.memref_slice %arg3[%dma_start3A, %dma_start3A_41] : memref<50000x1024xf32, #tpu.memory_space<hbm>> -> memref<50000x1024xf32, #tpu.memory_space<hbm>>
      tpu.enqueue_indirect_dma source(%dma_start3A_42 : memref<50000x1024xf32, #tpu.memory_space<hbm>>) target(%arg14 : memref<16x1024xf32, #tpu.memory_space<vmem>>) offsets(%arg13 : memref<16xi32, #tpu.memory_space<vmem>>) semaphore(%arg15 : memref<!tpu.dma_semaphore, #tpu.memory_space<semaphore_mem>>)
      %dma_wait3A = arith.constant 0 : i32
      %dma_wait3A_43 = arith.constant 0 : i32
      %dma_wait3A_44 = tpu.memref_slice %arg3[%dma_wait3A, %dma_wait3A_43] : memref<50000x1024xf32, #tpu.memory_space<hbm>> -> memref<50000x1024xf32, #tpu.memory_space<hbm>>
      tpu.wait_indirect_dma semaphore(%arg15 : memref<!tpu.dma_semaphore, #tpu.memory_space<semaphore_mem>>) src(%dma_wait3A_44 : memref<50000x1024xf32, #tpu.memory_space<hbm>>) dst(%arg14 : memref<16x1024xf32, #tpu.memory_space<vmem>>)
      "tpu.region"() ({
        %run_scoped3A = tpu.sem_alloc : memref<!tpu.dma_semaphore, #tpu.memory_space<semaphore_mem>>
        tpu.enqueue_dma source(%arg14 : memref<16x1024xf32, #tpu.memory_space<vmem>>) target(%arg4 : memref<16x1024xf32, #tpu.memory_space<hbm>>) target_semaphore(%run_scoped3A : memref<!tpu.dma_semaphore, #tpu.memory_space<semaphore_mem>>)
        tpu.wait_dma2 semaphore(%run_scoped3A : memref<!tpu.dma_semaphore, #tpu.memory_space<semaphore_mem>>) src(%arg14 : memref<16x1024xf32, #tpu.memory_space<vmem>>) dst(%arg4 : memref<16x1024xf32, #tpu.memory_space<hbm>>)
        tpu.yield
      }) : () -> ()
    } else {
    }
    return
  }
}

module attributes {stable_mosaic.version = 14 : i64} {
  func.func @_main_body(%arg0: i32, %arg1: memref<2000x1024xf32, #tpu.memory_space<vmem>>, %arg2: memref<512x1024xf32, #tpu.memory_space<vmem>>, %arg3: memref<1x512xf32, #tpu.memory_space<vmem>>, %arg4: memref<256x512xf32, #tpu.memory_space<vmem>>, %arg5: memref<1x256xf32, #tpu.memory_space<vmem>>, %arg6: memref<256x512xf32, #tpu.memory_space<vmem>>, %arg7: memref<1x256xf32, #tpu.memory_space<vmem>>, %arg8: memref<1x256xf32, #tpu.memory_space<vmem>>, %arg9: memref<1x1xf32, #tpu.memory_space<vmem>>, %arg10: memref<2x512xf32, #tpu.memory_space<vmem>>, %arg11: memref<2x1xf32, #tpu.memory_space<vmem>>, %arg12: memref<1x2048xf32, #tpu.memory_space<vmem>>, %arg13: memref<2x2048xf32, #tpu.memory_space<vmem>>, %arg14: memref<2x1xf32, #tpu.memory_space<vmem>>, %arg15: memref<1xf32, #tpu.memory_space<smem>>, %arg16: memref<1xf32, #tpu.memory_space<smem>>, %arg17: memref<2x1xf32, #tpu.memory_space<vmem>>) attributes {dimension_semantics = [#tpu.dimension_semantics<arbitrary>], iteration_bounds = array<i64: 25>, scalar_prefetch = 0 : i64, scratch_operands = 3 : i64, tpu.core_type = #tpu.core_type<tc>, window_params = [{transform_indices = @transform_0, window_bounds = array<i64: 2000, 1024>}, {pipeline_mode = #tpu.pipeline_mode<synchronous>, transform_indices = @transform_1, window_bounds = array<i64: 512, 1024>}, {pipeline_mode = #tpu.pipeline_mode<synchronous>, transform_indices = @transform_2, window_bounds = array<i64: 1, 512>}, {pipeline_mode = #tpu.pipeline_mode<synchronous>, transform_indices = @transform_3, window_bounds = array<i64: 256, 512>}, {pipeline_mode = #tpu.pipeline_mode<synchronous>, transform_indices = @transform_4, window_bounds = array<i64: 1, 256>}, {pipeline_mode = #tpu.pipeline_mode<synchronous>, transform_indices = @transform_5, window_bounds = array<i64: 256, 512>}, {pipeline_mode = #tpu.pipeline_mode<synchronous>, transform_indices = @transform_6, window_bounds = array<i64: 1, 256>}, {pipeline_mode = #tpu.pipeline_mode<synchronous>, transform_indices = @transform_7, window_bounds = array<i64: 1, 256>}, {pipeline_mode = #tpu.pipeline_mode<synchronous>, transform_indices = @transform_8, window_bounds = array<i64: 1, 1>}, {pipeline_mode = #tpu.pipeline_mode<synchronous>, transform_indices = @transform_9, window_bounds = array<i64: 2, 512>}, {pipeline_mode = #tpu.pipeline_mode<synchronous>, transform_indices = @transform_10, window_bounds = array<i64: 2, 1>}, {transform_indices = @transform_11, window_bounds = array<i64: 1, 2048>}, {transform_indices = @transform_12, window_bounds = array<i64: 2, 2048>}, {pipeline_mode = #tpu.pipeline_mode<synchronous>, transform_indices = @transform_13, window_bounds = array<i64: 2, 1>}]} {
    %eq3A = arith.constant 0 : i32
    %eq3A_0 = arith.cmpi eq, %arg0, %eq3A : i32
    %convert_element_type3A = arith.extui %eq3A_0 : i1 to i32
    %cond3A = arith.constant 0 : i32
    %cond3A_1 = arith.cmpi ne, %convert_element_type3A, %cond3A : i32
    scf.if %cond3A_1 {
      %swap3A_109 = arith.constant -3.000000e+38 : f32
      %swap3A_110 = arith.constant 0 : index
      %swap3A_111 = memref.load %arg15[%swap3A_110] : memref<1xf32, #tpu.memory_space<smem>>
      memref.store %swap3A_109, %arg15[%swap3A_110] : memref<1xf32, #tpu.memory_space<smem>>
      %swap3A_112 = arith.constant 0.000000e+00 : f32
      %swap3A_113 = arith.constant 0 : index
      %swap3A_114 = memref.load %arg16[%swap3A_113] : memref<1xf32, #tpu.memory_space<smem>>
      memref.store %swap3A_112, %arg16[%swap3A_113] : memref<1xf32, #tpu.memory_space<smem>>
      %broadcast_in_dim3A_115 = arith.constant 0.000000e+00 : f32
      %broadcast_in_dim3A_116 = vector.broadcast %broadcast_in_dim3A_115 : f32 to vector<2x1xf32>
      %swap3A_117 = arith.constant 0 : index
      %swap3A_118 = arith.constant 0 : index
      %swap3A_119 = vector.load %arg17[%swap3A_117, %swap3A_118] : memref<2x1xf32, #tpu.memory_space<vmem>>, vector<2x1xf32>
      tpu.vector_store %arg17[%swap3A_117, %swap3A_118], %broadcast_in_dim3A_116 {strides = array<i32>} : memref<2x1xf32, #tpu.memory_space<vmem>>, vector<2x1xf32>,
    } else {
    }
    %get3A = arith.constant 0 : index
    %get3A_2 = arith.constant 0 : index
    %get3A_3 = vector.load %arg1[%get3A, %get3A_2] : memref<2000x1024xf32, #tpu.memory_space<vmem>>, vector<2000x1024xf32>
    %get3A_4 = arith.constant 0 : index
    %get3A_5 = arith.constant 0 : index
    %get3A_6 = vector.load %arg2[%get3A_4, %get3A_5] : memref<512x1024xf32, #tpu.memory_space<vmem>>, vector<512x1024xf32>
    %dot_general3A = arith.constant dense<0.000000e+00> : vector<2000x512xf32>
    %dot_general3A_7 = tpu.matmul %get3A_3, %get3A_6, %dot_general3A {dimension_numbers = #tpu.dot_dimension_numbers<[1], [1], [0], [0], [0, 0, 1, 0], [], []>, transpose_lhs_hint = false} : vector<2000x1024xf32>, vector<512x1024xf32>, vector<2000x512xf32> -> vector<2000x512xf32>
    %get3A_8 = arith.constant 0 : index
    %get3A_9 = arith.constant 0 : index
    %get3A_10 = vector.load %arg3[%get3A_8, %get3A_9] : memref<1x512xf32, #tpu.memory_space<vmem>>, vector<1x512xf32>
    %add3A = vector.broadcast %get3A_10 : vector<1x512xf32> to vector<2000x512xf32>
    %add3A_11 = arith.addf %dot_general3A_7, %add3A : vector<2000x512xf32>
    %max3A = arith.constant 0.000000e+00 : f32
    %max3A_12 = vector.broadcast %max3A : f32 to vector<2000x512xf32>
    %max3A_13 = arith.maximumf %add3A_11, %max3A_12 : vector<2000x512xf32>
    %get3A_14 = arith.constant 0 : index
    %get3A_15 = arith.constant 0 : index
    %get3A_16 = vector.load %arg4[%get3A_14, %get3A_15] : memref<256x512xf32, #tpu.memory_space<vmem>>, vector<256x512xf32>
    %dot_general3A_17 = arith.constant dense<0.000000e+00> : vector<2000x256xf32>
    %dot_general3A_18 = tpu.matmul %max3A_13, %get3A_16, %dot_general3A_17 {dimension_numbers = #tpu.dot_dimension_numbers<[1], [1], [0], [0], [0, 0, 1, 0], [], []>, transpose_lhs_hint = false} : vector<2000x512xf32>, vector<256x512xf32>, vector<2000x256xf32> -> vector<2000x256xf32>
    %get3A_19 = arith.constant 0 : index
    %get3A_20 = arith.constant 0 : index
    %get3A_21 = vector.load %arg5[%get3A_19, %get3A_20] : memref<1x256xf32, #tpu.memory_space<vmem>>, vector<1x256xf32>
    %add3A_22 = vector.broadcast %get3A_21 : vector<1x256xf32> to vector<2000x256xf32>
    %add3A_23 = arith.addf %dot_general3A_18, %add3A_22 : vector<2000x256xf32>
    %tanh3A = math.tanh %add3A_23 : vector<2000x256xf32>
    %get3A_24 = arith.constant 0 : index
    %get3A_25 = arith.constant 0 : index
    %get3A_26 = vector.load %arg6[%get3A_24, %get3A_25] : memref<256x512xf32, #tpu.memory_space<vmem>>, vector<256x512xf32>
    %dot_general3A_27 = arith.constant dense<0.000000e+00> : vector<2000x256xf32>
    %dot_general3A_28 = tpu.matmul %max3A_13, %get3A_26, %dot_general3A_27 {dimension_numbers = #tpu.dot_dimension_numbers<[1], [1], [0], [0], [0, 0, 1, 0], [], []>, transpose_lhs_hint = false} : vector<2000x512xf32>, vector<256x512xf32>, vector<2000x256xf32> -> vector<2000x256xf32>
    %get3A_29 = arith.constant 0 : index
    %get3A_30 = arith.constant 0 : index
    %get3A_31 = vector.load %arg7[%get3A_29, %get3A_30] : memref<1x256xf32, #tpu.memory_space<vmem>>, vector<1x256xf32>
    %add3A_32 = vector.broadcast %get3A_31 : vector<1x256xf32> to vector<2000x256xf32>
    %add3A_33 = arith.addf %dot_general3A_28, %add3A_32 : vector<2000x256xf32>
    %logistic3A = arith.negf %add3A_33 : vector<2000x256xf32>
    %logistic3A_34 = math.exp %logistic3A : vector<2000x256xf32>
    %logistic3A_35 = arith.constant 1.000000e+00 : f32
    %logistic3A_36 = vector.broadcast %logistic3A_35 : f32 to vector<2000x256xf32>
    %logistic3A_37 = arith.addf %logistic3A_36, %logistic3A_34 : vector<2000x256xf32>
    %logistic3A_38 = arith.divf %logistic3A_36, %logistic3A_37 : vector<2000x256xf32>
    %get3A_39 = arith.constant 0 : index
    %get3A_40 = arith.constant 0 : index
    %get3A_41 = vector.load %arg8[%get3A_39, %get3A_40] : memref<1x256xf32, #tpu.memory_space<vmem>>, vector<1x256xf32>
    %mul3A = arith.mulf %tanh3A, %logistic3A_38 : vector<2000x256xf32>
    %dot_general3A_42 = arith.constant dense<0.000000e+00> : vector<1x2000xf32>
    %dot_general3A_43 = tpu.matmul %get3A_41, %mul3A, %dot_general3A_42 {dimension_numbers = #tpu.dot_dimension_numbers<[1], [1], [0], [0], [0, 0, 1, 0], [], []>, transpose_lhs_hint = false} : vector<1x256xf32>, vector<2000x256xf32>, vector<1x2000xf32> -> vector<1x2000xf32>
    %get3A_44 = arith.constant 0 : index
    %get3A_45 = arith.constant 0 : index
    %get3A_46 = vector.load %arg9[%get3A_44, %get3A_45] : memref<1x1xf32, #tpu.memory_space<vmem>>, vector<1x1xf32>
    %add3A_47 = vector.broadcast %get3A_46 : vector<1x1xf32> to vector<1x2000xf32>
    %add3A_48 = arith.addf %dot_general3A_43, %add3A_47 : vector<1x2000xf32>
    %get3A_49 = arith.constant 0 : index
    %get3A_50 = arith.constant 0 : index
    %get3A_51 = vector.load %arg10[%get3A_49, %get3A_50] : memref<2x512xf32, #tpu.memory_space<vmem>>, vector<2x512xf32>
    %dot_general3A_52 = arith.constant dense<0.000000e+00> : vector<2x2000xf32>
    %dot_general3A_53 = tpu.matmul %get3A_51, %max3A_13, %dot_general3A_52 {dimension_numbers = #tpu.dot_dimension_numbers<[1], [1], [0], [0], [0, 0, 1, 0], [], []>, transpose_lhs_hint = false} : vector<2x512xf32>, vector<2000x512xf32>, vector<2x2000xf32> -> vector<2x2000xf32>
    %get3A_54 = arith.constant 0 : index
    %get3A_55 = arith.constant 0 : index
    %get3A_56 = vector.load %arg11[%get3A_54, %get3A_55] : memref<2x1xf32, #tpu.memory_space<vmem>>, vector<2x1xf32>
    %add3A_57 = vector.broadcast %get3A_56 : vector<2x1xf32> to vector<2x2000xf32>
    %add3A_58 = arith.addf %dot_general3A_53, %add3A_57 : vector<2x2000xf32>
    %broadcast_in_dim3A = arith.constant -3.000000e+38 : f32
    %broadcast_in_dim3A_59 = vector.broadcast %broadcast_in_dim3A : f32 to vector<1x48xf32>
    %concatenate3A = tpu.concatenate %add3A_48, %broadcast_in_dim3A_59 in 1 : vector<1x2000xf32>, vector<1x48xf32> -> vector<1x2048xf32>
    %swap3A = arith.constant 0 : index
    %swap3A_60 = arith.constant 0 : index
    %swap3A_61 = vector.load %arg12[%swap3A, %swap3A_60] : memref<1x2048xf32, #tpu.memory_space<vmem>>, vector<1x2048xf32>
    tpu.vector_store %arg12[%swap3A, %swap3A_60], %concatenate3A {strides = array<i32>} : memref<1x2048xf32, #tpu.memory_space<vmem>>, vector<1x2048xf32>,
    %broadcast_in_dim3A_62 = arith.constant 0.000000e+00 : f32
    %broadcast_in_dim3A_63 = vector.broadcast %broadcast_in_dim3A_62 : f32 to vector<2x48xf32>
    %concatenate3A_64 = tpu.concatenate %add3A_58, %broadcast_in_dim3A_63 in 1 : vector<2x2000xf32>, vector<2x48xf32> -> vector<2x2048xf32>
    %swap3A_65 = arith.constant 0 : index
    %swap3A_66 = arith.constant 0 : index
    %swap3A_67 = vector.load %arg13[%swap3A_65, %swap3A_66] : memref<2x2048xf32, #tpu.memory_space<vmem>>, vector<2x2048xf32>
    tpu.vector_store %arg13[%swap3A_65, %swap3A_66], %concatenate3A_64 {strides = array<i32>} : memref<2x2048xf32, #tpu.memory_space<vmem>>, vector<2x2048xf32>,
    %get3A_68 = arith.constant 0 : index
    %get3A_69 = memref.load %arg15[%get3A_68] : memref<1xf32, #tpu.memory_space<smem>>
    %reduce_max3A = vector.shape_cast %add3A_48 : vector<1x2000xf32> to vector<1x1x2000xf32>
    %reduce_max3A_70 = arith.constant dense<0xFF800000> : vector<1xf32>
    %reduce_max3A_71 = vector.multi_reduction <maximumf>, %reduce_max3A, %reduce_max3A_70 [1, 2] : vector<1x1x2000xf32> to vector<1xf32>
    %reduce_max3A_72 = vector.shape_cast %reduce_max3A_71 : vector<1xf32> to vector<1x1x1xf32>
    %reduce_max3A_73 = vector.extract %reduce_max3A_72[0, 0, 0] : f32 from vector<1x1x1xf32>
    %max3A_74 = arith.maximumf %get3A_69, %reduce_max3A_73 : f32
    %sub3A = arith.subf %get3A_69, %max3A_74 : f32
    %exp3A = math.exp %sub3A : f32
    %sub3A_75 = vector.broadcast %max3A_74 : f32 to vector<1x2000xf32>
    %sub3A_76 = arith.subf %add3A_48, %sub3A_75 : vector<1x2000xf32>
    %exp3A_77 = math.exp %sub3A_76 : vector<1x2000xf32>
    %get3A_78 = arith.constant 0 : index
    %get3A_79 = memref.load %arg16[%get3A_78] : memref<1xf32, #tpu.memory_space<smem>>
    %mul3A_80 = arith.mulf %get3A_79, %exp3A : f32
    %reduce_sum3A = vector.shape_cast %exp3A_77 : vector<1x2000xf32> to vector<1x1x2000xf32>
    %reduce_sum3A_81 = arith.constant dense<0.000000e+00> : vector<1xf32>
    %reduce_sum3A_82 = vector.multi_reduction <add>, %reduce_sum3A, %reduce_sum3A_81 [1, 2] : vector<1x1x2000xf32> to vector<1xf32>
    %reduce_sum3A_83 = vector.shape_cast %reduce_sum3A_82 : vector<1xf32> to vector<1x1x1xf32>
    %reduce_sum3A_84 = vector.extract %reduce_sum3A_83[0, 0, 0] : f32 from vector<1x1x1xf32>
    %add3A_85 = arith.addf %mul3A_80, %reduce_sum3A_84 : f32
    %swap3A_86 = arith.constant 0 : index
    %swap3A_87 = memref.load %arg16[%swap3A_86] : memref<1xf32, #tpu.memory_space<smem>>
    memref.store %add3A_85, %arg16[%swap3A_86] : memref<1xf32, #tpu.memory_space<smem>>
    %get3A_88 = arith.constant 0 : index
    %get3A_89 = arith.constant 0 : index
    %get3A_90 = vector.load %arg17[%get3A_88, %get3A_89] : memref<2x1xf32, #tpu.memory_space<vmem>>, vector<2x1xf32>
    %mul3A_91 = vector.broadcast %exp3A : f32 to vector<2x1xf32>
    %mul3A_92 = arith.mulf %get3A_90, %mul3A_91 : vector<2x1xf32>
    %mul3A_93 = vector.broadcast %exp3A_77 : vector<1x2000xf32> to vector<2x2000xf32>
    %mul3A_94 = arith.mulf %add3A_58, %mul3A_93 : vector<2x2000xf32>
    %reduce_sum3A_95 = arith.constant dense<0.000000e+00> : vector<2xf32>
    %reduce_sum3A_96 = vector.multi_reduction <add>, %mul3A_94, %reduce_sum3A_95 [1] : vector<2x2000xf32> to vector<2xf32>
    %broadcast_in_dim3A_97 = vector.shape_cast %reduce_sum3A_96 : vector<2xf32> to vector<2x1xf32>
    %add3A_98 = arith.addf %mul3A_92, %broadcast_in_dim3A_97 : vector<2x1xf32>
    %swap3A_99 = arith.constant 0 : index
    %swap3A_100 = arith.constant 0 : index
    %swap3A_101 = vector.load %arg17[%swap3A_99, %swap3A_100] : memref<2x1xf32, #tpu.memory_space<vmem>>, vector<2x1xf32>
    tpu.vector_store %arg17[%swap3A_99, %swap3A_100], %add3A_98 {strides = array<i32>} : memref<2x1xf32, #tpu.memory_space<vmem>>, vector<2x1xf32>,
    %swap3A_102 = arith.constant 0 : index
    %swap3A_103 = memref.load %arg15[%swap3A_102] : memref<1xf32, #tpu.memory_space<smem>>
    memref.store %max3A_74, %arg15[%swap3A_102] : memref<1xf32, #tpu.memory_space<smem>>
    %eq3A_104 = arith.constant 24 : i32
    %eq3A_105 = arith.cmpi eq, %arg0, %eq3A_104 : i32
    %convert_element_type3A_106 = arith.extui %eq3A_105 : i1 to i32
    %cond3A_107 = arith.constant 0 : i32
    %cond3A_108 = arith.cmpi ne, %convert_element_type3A_106, %cond3A_107 : i32
    scf.if %cond3A_108 {
      %get3A_109 = arith.constant 0 : index
      %get3A_110 = arith.constant 0 : index
      %get3A_111 = vector.load %arg17[%get3A_109, %get3A_110] : memref<2x1xf32, #tpu.memory_space<vmem>>, vector<2x1xf32>
      %get3A_112 = arith.constant 0 : index
      %get3A_113 = memref.load %arg16[%get3A_112] : memref<1xf32, #tpu.memory_space<smem>>
      %div3A = vector.broadcast %get3A_113 : f32 to vector<2x1xf32>
      %div3A_114 = arith.divf %get3A_111, %div3A : vector<2x1xf32>
      %swap3A_115 = arith.constant 0 : index
      %swap3A_116 = arith.constant 0 : index
      %swap3A_117 = vector.load %arg14[%swap3A_115, %swap3A_116] : memref<2x1xf32, #tpu.memory_space<vmem>>, vector<2x1xf32>
      tpu.vector_store %arg14[%swap3A_115, %swap3A_116], %div3A_114 {strides = array<i32>} : memref<2x1xf32, #tpu.memory_space<vmem>>, vector<2x1xf32>,
    } else {
    }
    return
  }
  func.func @transform_0(%arg0: i32) -> (i32, i32) {
    %c0_i32 = arith.constant 0 : i32
    %c0_i32_0 = arith.constant 0 : i32
    return %arg0, %c0_i32 : i32, i32
  }
  func.func @transform_1(%arg0: i32) -> (i32, i32) {
    %c0_i32 = arith.constant 0 : i32
    %c0_i32_0 = arith.constant 0 : i32
    %c0_i32_1 = arith.constant 0 : i32
    return %c0_i32, %c0_i32_0 : i32, i32
  }
  func.func @transform_2(%arg0: i32) -> (i32, i32) {
    %c0_i32 = arith.constant 0 : i32
    %c0_i32_0 = arith.constant 0 : i32
    %c0_i32_1 = arith.constant 0 : i32
    return %c0_i32, %c0_i32_0 : i32, i32
  }
  func.func @transform_3(%arg0: i32) -> (i32, i32) {
    %c0_i32 = arith.constant 0 : i32
    %c0_i32_0 = arith.constant 0 : i32
    %c0_i32_1 = arith.constant 0 : i32
    return %c0_i32, %c0_i32_0 : i32, i32
  }
  func.func @transform_4(%arg0: i32) -> (i32, i32) {
    %c0_i32 = arith.constant 0 : i32
    %c0_i32_0 = arith.constant 0 : i32
    %c0_i32_1 = arith.constant 0 : i32
    return %c0_i32, %c0_i32_0 : i32, i32
  }
  func.func @transform_5(%arg0: i32) -> (i32, i32) {
    %c0_i32 = arith.constant 0 : i32
    %c0_i32_0 = arith.constant 0 : i32
    %c0_i32_1 = arith.constant 0 : i32
    return %c0_i32, %c0_i32_0 : i32, i32
  }
  func.func @transform_6(%arg0: i32) -> (i32, i32) {
    %c0_i32 = arith.constant 0 : i32
    %c0_i32_0 = arith.constant 0 : i32
    %c0_i32_1 = arith.constant 0 : i32
    return %c0_i32, %c0_i32_0 : i32, i32
  }
  func.func @transform_7(%arg0: i32) -> (i32, i32) {
    %c0_i32 = arith.constant 0 : i32
    %c0_i32_0 = arith.constant 0 : i32
    %c0_i32_1 = arith.constant 0 : i32
    return %c0_i32, %c0_i32_0 : i32, i32
  }
  func.func @transform_8(%arg0: i32) -> (i32, i32) {
    %c0_i32 = arith.constant 0 : i32
    %c0_i32_0 = arith.constant 0 : i32
    %c0_i32_1 = arith.constant 0 : i32
    return %c0_i32, %c0_i32_0 : i32, i32
  }
  func.func @transform_9(%arg0: i32) -> (i32, i32) {
    %c0_i32 = arith.constant 0 : i32
    %c0_i32_0 = arith.constant 0 : i32
    %c0_i32_1 = arith.constant 0 : i32
    return %c0_i32, %c0_i32_0 : i32, i32
  }
  func.func @transform_10(%arg0: i32) -> (i32, i32) {
    %c0_i32 = arith.constant 0 : i32
    %c0_i32_0 = arith.constant 0 : i32
    %c0_i32_1 = arith.constant 0 : i32
    return %c0_i32, %c0_i32_0 : i32, i32
  }
  func.func @transform_11(%arg0: i32) -> (i32, i32) {
    %c0_i32 = arith.constant 0 : i32
    %c0_i32_0 = arith.constant 0 : i32
    return %c0_i32, %arg0 : i32, i32
  }
  func.func @transform_12(%arg0: i32) -> (i32, i32) {
    %c0_i32 = arith.constant 0 : i32
    %c0_i32_0 = arith.constant 0 : i32
    return %c0_i32, %arg0 : i32, i32
  }
  func.func @transform_13(%arg0: i32) -> (i32, i32) {
    %c0_i32 = arith.constant 0 : i32
    %c0_i32_0 = arith.constant 0 : i32
    %c0_i32_1 = arith.constant 0 : i32
    return %c0_i32, %c0_i32_0 : i32, i32
  }
}

module attributes {stable_mosaic.version = 14 : i64} {
  func.func @_loss_body(%arg0: memref<16x1024xf32, #tpu.memory_space<vmem>>, %arg1: memref<512x1024xf32, #tpu.memory_space<vmem>>, %arg2: memref<1x512xf32, #tpu.memory_space<vmem>>, %arg3: memref<2x512xf32, #tpu.memory_space<vmem>>, %arg4: memref<1x2xf32, #tpu.memory_space<vmem>>, %arg5: memref<2x512xf32, #tpu.memory_space<vmem>>, %arg6: memref<1x2xf32, #tpu.memory_space<vmem>>, %arg7: memref<1xi32, #tpu.memory_space<smem>>, %arg8: memref<1xf32, #tpu.memory_space<smem>>) attributes {dimension_semantics = [], scalar_prefetch = 0 : i64, scratch_operands = 0 : i64, tpu.core_type = #tpu.core_type<tc>} {
    %get3A = arith.constant 0 : index
    %get3A_0 = arith.constant 0 : index
    %get3A_1 = vector.load %arg0[%get3A, %get3A_0] : memref<16x1024xf32, #tpu.memory_space<vmem>>, vector<16x1024xf32>
    %get3A_2 = arith.constant 0 : index
    %get3A_3 = arith.constant 0 : index
    %get3A_4 = vector.load %arg1[%get3A_2, %get3A_3] : memref<512x1024xf32, #tpu.memory_space<vmem>>, vector<512x1024xf32>
    %dot_general3A = arith.constant dense<0.000000e+00> : vector<16x512xf32>
    %dot_general3A_5 = tpu.matmul %get3A_1, %get3A_4, %dot_general3A {dimension_numbers = #tpu.dot_dimension_numbers<[1], [1], [0], [0], [0, 0, 1, 0], [], []>, transpose_lhs_hint = false} : vector<16x1024xf32>, vector<512x1024xf32>, vector<16x512xf32> -> vector<16x512xf32>
    %get3A_6 = arith.constant 0 : index
    %get3A_7 = arith.constant 0 : index
    %get3A_8 = vector.load %arg2[%get3A_6, %get3A_7] : memref<1x512xf32, #tpu.memory_space<vmem>>, vector<1x512xf32>
    %add3A = vector.broadcast %get3A_8 : vector<1x512xf32> to vector<16x512xf32>
    %add3A_9 = arith.addf %dot_general3A_5, %add3A : vector<16x512xf32>
    %max3A = arith.constant 0.000000e+00 : f32
    %max3A_10 = vector.broadcast %max3A : f32 to vector<16x512xf32>
    %max3A_11 = arith.maximumf %add3A_9, %max3A_10 : vector<16x512xf32>
    %iota3A = tpu.iota {dimensions = array<i32: 0>} : vector<16x1xi32>
    %lt3A = arith.constant 8 : i32
    %lt3A_12 = vector.broadcast %lt3A : i32 to vector<16x1xi32>
    %lt3A_13 = arith.cmpi slt, %iota3A, %lt3A_12 : vector<16x1xi32>
    %convert_element_type3A = arith.extui %lt3A_13 : vector<16x1xi1> to vector<16x1xi32>
    %convert_element_type3A_14 = arith.sitofp %convert_element_type3A : vector<16x1xi32> to vector<16x1xf32>
    %get3A_15 = arith.constant 0 : index
    %get3A_16 = arith.constant 0 : index
    %get3A_17 = vector.load %arg3[%get3A_15, %get3A_16] : memref<2x512xf32, #tpu.memory_space<vmem>>, vector<2x512xf32>
    %dot_general3A_18 = arith.constant dense<0.000000e+00> : vector<16x2xf32>
    %dot_general3A_19 = tpu.matmul %max3A_11, %get3A_17, %dot_general3A_18 {dimension_numbers = #tpu.dot_dimension_numbers<[1], [1], [0], [0], [0, 0, 1, 0], [], []>, transpose_lhs_hint = false} : vector<16x512xf32>, vector<2x512xf32>, vector<16x2xf32> -> vector<16x2xf32>
    %get3A_20 = arith.constant 0 : index
    %get3A_21 = arith.constant 0 : index
    %get3A_22 = vector.load %arg4[%get3A_20, %get3A_21] : memref<1x2xf32, #tpu.memory_space<vmem>>, vector<1x2xf32>
    %add3A_23 = vector.broadcast %get3A_22 : vector<1x2xf32> to vector<16x2xf32>
    %add3A_24 = arith.addf %dot_general3A_19, %add3A_23 : vector<16x2xf32>
    %slice3A = vector.extract_strided_slice %add3A_24 {offsets = [0, 0], sizes = [16, 1], strides = [1, 1]} : vector<16x2xf32> to vector<16x1xf32>
    %slice3A_25 = vector.extract_strided_slice %add3A_24 {offsets = [0, 1], sizes = [16, 1], strides = [1, 1]} : vector<16x2xf32> to vector<16x1xf32>
    %max3A_26 = arith.maximumf %slice3A, %slice3A_25 : vector<16x1xf32>
    %sub3A = arith.subf %slice3A, %max3A_26 : vector<16x1xf32>
    %exp3A = math.exp %sub3A : vector<16x1xf32>
    %sub3A_27 = arith.subf %slice3A_25, %max3A_26 : vector<16x1xf32>
    %exp3A_28 = math.exp %sub3A_27 : vector<16x1xf32>
    %add3A_29 = arith.addf %exp3A, %exp3A_28 : vector<16x1xf32>
    %log3A = math.log %add3A_29 : vector<16x1xf32>
    %add3A_30 = arith.addf %max3A_26, %log3A : vector<16x1xf32>
    %mul3A = arith.mulf %convert_element_type3A_14, %slice3A_25 : vector<16x1xf32>
    %sub3A_31 = arith.constant 1.000000e+00 : f32
    %sub3A_32 = vector.broadcast %sub3A_31 : f32 to vector<16x1xf32>
    %sub3A_33 = arith.subf %sub3A_32, %convert_element_type3A_14 : vector<16x1xf32>
    %mul3A_34 = arith.mulf %sub3A_33, %slice3A : vector<16x1xf32>
    %add3A_35 = arith.addf %mul3A, %mul3A_34 : vector<16x1xf32>
    %sub3A_36 = arith.subf %add3A_30, %add3A_35 : vector<16x1xf32>
    %reduce_sum3A = vector.shape_cast %sub3A_36 : vector<16x1xf32> to vector<1x16x1xf32>
    %reduce_sum3A_37 = arith.constant dense<0.000000e+00> : vector<1xf32>
    %reduce_sum3A_38 = vector.multi_reduction <add>, %reduce_sum3A, %reduce_sum3A_37 [1, 2] : vector<1x16x1xf32> to vector<1xf32>
    %reduce_sum3A_39 = vector.shape_cast %reduce_sum3A_38 : vector<1xf32> to vector<1x1x1xf32>
    %reduce_sum3A_40 = vector.extract %reduce_sum3A_39[0, 0, 0] : f32 from vector<1x1x1xf32>
    %div3A = arith.constant 1.600000e+01 : f32
    %div3A_41 = arith.divf %reduce_sum3A_40, %div3A : f32
    %get3A_42 = arith.constant 0 : index
    %get3A_43 = arith.constant 0 : index
    %get3A_44 = vector.load %arg5[%get3A_42, %get3A_43] : memref<2x512xf32, #tpu.memory_space<vmem>>, vector<2x512xf32>
    %dot_general3A_45 = arith.constant dense<0.000000e+00> : vector<16x2xf32>
    %dot_general3A_46 = tpu.matmul %max3A_11, %get3A_44, %dot_general3A_45 {dimension_numbers = #tpu.dot_dimension_numbers<[1], [1], [0], [0], [0, 0, 1, 0], [], []>, transpose_lhs_hint = false} : vector<16x512xf32>, vector<2x512xf32>, vector<16x2xf32> -> vector<16x2xf32>
    %get3A_47 = arith.constant 0 : index
    %get3A_48 = arith.constant 0 : index
    %get3A_49 = vector.load %arg6[%get3A_47, %get3A_48] : memref<1x2xf32, #tpu.memory_space<vmem>>, vector<1x2xf32>
    %add3A_50 = vector.broadcast %get3A_49 : vector<1x2xf32> to vector<16x2xf32>
    %add3A_51 = arith.addf %dot_general3A_46, %add3A_50 : vector<16x2xf32>
    %slice3A_52 = vector.extract_strided_slice %add3A_51 {offsets = [0, 0], sizes = [16, 1], strides = [1, 1]} : vector<16x2xf32> to vector<16x1xf32>
    %slice3A_53 = vector.extract_strided_slice %add3A_51 {offsets = [0, 1], sizes = [16, 1], strides = [1, 1]} : vector<16x2xf32> to vector<16x1xf32>
    %max3A_54 = arith.maximumf %slice3A_52, %slice3A_53 : vector<16x1xf32>
    %sub3A_55 = arith.subf %slice3A_52, %max3A_54 : vector<16x1xf32>
    %exp3A_56 = math.exp %sub3A_55 : vector<16x1xf32>
    %sub3A_57 = arith.subf %slice3A_53, %max3A_54 : vector<16x1xf32>
    %exp3A_58 = math.exp %sub3A_57 : vector<16x1xf32>
    %add3A_59 = arith.addf %exp3A_56, %exp3A_58 : vector<16x1xf32>
    %log3A_60 = math.log %add3A_59 : vector<16x1xf32>
    %add3A_61 = arith.addf %max3A_54, %log3A_60 : vector<16x1xf32>
    %mul3A_62 = arith.mulf %convert_element_type3A_14, %slice3A_53 : vector<16x1xf32>
    %sub3A_63 = arith.constant 1.000000e+00 : f32
    %sub3A_64 = vector.broadcast %sub3A_63 : f32 to vector<16x1xf32>
    %sub3A_65 = arith.subf %sub3A_64, %convert_element_type3A_14 : vector<16x1xf32>
    %mul3A_66 = arith.mulf %sub3A_65, %slice3A_52 : vector<16x1xf32>
    %add3A_67 = arith.addf %mul3A_62, %mul3A_66 : vector<16x1xf32>
    %sub3A_68 = arith.subf %add3A_61, %add3A_67 : vector<16x1xf32>
    %reduce_sum3A_69 = vector.shape_cast %sub3A_68 : vector<16x1xf32> to vector<1x16x1xf32>
    %reduce_sum3A_70 = arith.constant dense<0.000000e+00> : vector<1xf32>
    %reduce_sum3A_71 = vector.multi_reduction <add>, %reduce_sum3A_69, %reduce_sum3A_70 [1, 2] : vector<1x16x1xf32> to vector<1xf32>
    %reduce_sum3A_72 = vector.shape_cast %reduce_sum3A_71 : vector<1xf32> to vector<1x1x1xf32>
    %reduce_sum3A_73 = vector.extract %reduce_sum3A_72[0, 0, 0] : f32 from vector<1x1x1xf32>
    %div3A_74 = arith.constant 1.600000e+01 : f32
    %div3A_75 = arith.divf %reduce_sum3A_73, %div3A_74 : f32
    %get3A_76 = arith.constant 0 : index
    %get3A_77 = memref.load %arg7[%get3A_76] : memref<1xi32, #tpu.memory_space<smem>>
    %eq3A = arith.constant 1 : i32
    %eq3A_78 = arith.cmpi eq, %get3A_77, %eq3A : i32
    %convert_element_type3A_79 = arith.extui %eq3A_78 : i1 to i32
    %convert_element_type3A_80 = arith.sitofp %convert_element_type3A_79 : i32 to f32
    %sub3A_81 = arith.constant 1.000000e+00 : f32
    %sub3A_82 = arith.subf %sub3A_81, %convert_element_type3A_80 : f32
    %mul3A_83 = arith.mulf %sub3A_82, %div3A_41 : f32
    %mul3A_84 = arith.mulf %convert_element_type3A_80, %div3A_75 : f32
    %add3A_85 = arith.addf %mul3A_83, %mul3A_84 : f32
    %swap3A = arith.constant 0 : index
    %swap3A_86 = memref.load %arg8[%swap3A] : memref<1xf32, #tpu.memory_space<smem>>
    memref.store %add3A_85, %arg8[%swap3A] : memref<1xf32, #tpu.memory_space<smem>>
    return
  }
}

</mosaic_0001>

<sc_bundles>
// kernel: kernel.5.cloned.1.call-start
scs
__scs_entry_jumppad:
0x0: {  	(pc) =	sbr.rel $0x88, $3  }
0x1: {  	(tag) =	ssettag $0x0;
	lr =	simm.s32 $0x1  }
0x2: {  	[smem:$0x3F91] =	sst lr;
	_ =	strace $0xD0000000  }
0x3: {  	_ = 	snop  }
0x4: {  	_ = 	snop  }
0x5: {  	_ = 	snop  }
0x6: {  	_ = 	snop  }
0x7: {  	_ = 	snop  }
__scs_overlays_trampoline_lowered:
0x8: {  	[smem:$0x3FA0] =	sst s0  }
0x9: {  	[smem:$0x3FA1] =	sst s1  }
0xa: {  	[smem:$0x3FA2] =	sst s2  }
0xb: {  	[smem:$0x3FA3] =	sst s3  }
0xc: {  	[smem:$0x3FA4] =	sst s4  }
0xd: {  	[smem:$0x3FA5] =	sst s5  }
0xe: {  	[smem:$0x3FA6] =	sst s6  }
0xf: {  	[smem:$0x3FA7] =	sst s7  }
0x10: {  	[smem:$0x3FA8] =	sst s8  }
0x11: {  	[smem:$0x3FA9] =	sst s9;
	s0 =	simm.s32 @!p0 $0x0  }
0x12: {  	s1 =	sld [smem:$0x3F8F];
	s0 =	simm.s32 @p0 $0x1  }
0x13: {  	[smem:$0x3FAA] =	sst s0;
	s0 =	simm.s32 @!p1 $0x0  }
0x14: {  	s2 =	sld [smem:$0x3F8E];
	s0 =	simm.s32 @p1 $0x1  }
0x15: {  	[smem:$0x3FAB] =	sst s0;
	s0 =	simm.s32 @!p2 $0x0  }
0x16: {  	s3 =	sld [smem:$0x3FDB];
	s0 =	simm.s32 @p2 $0x1  }
0x17: {  	s4 =	simm.s32 $0x1BF5;
	[smem:$0x3FAD] =	sst s0  }
0x18: {  	s0 =	sld [smem:$0x3F90];
	_ =	swait.ge [sflag:s4], $0x0  }
0x19: {  	s7 =	sld [smem:$0x3F91]  }
0x1a: {  	s8 =	sadd.s32 $0xFFFFE003, lr  }
0x1b: {  	s9 =	sadd.s32 $0xFFFFFEF7, lr;
	s5 =	simm.s32 $0xFFFFFFFF;
	p2 =	slt.u32 s8, $0xFFFFF086  }
0x1c: {  	p1 =	slt.u32 s9, $0xF7A;
	s5 =	simm.s32 @!p2 $0x0  }
0x1d: {  	s5 =	simm.s32 @p1 $0x1;
	p0 =	seq.s32 s7, s2  }
0x1e: {  	s7 =	smul.u32 @!p0 $0xF7A, s2;
	p2 =	seq.s32 @!p0 s5, $0x0  }
0x1f: {  	s9 =	smul.u32 $0xF7A, s1;
	s8 =	simm.s32 @!p0 $0x1BF5;
	p2 =	por !p2, p0  }
0x20: {  	[sflag:s8] =	ssyncset.s32 @!p0 $0xFFFFF086;
	s6 =	sadd.s32 @!p0 s3, s7;
	s7 =	simm.s32 @!p0 $0x108  }
0x21: {  	s3 =	sadd.s32 s3, s9;
	s6 =	sadd.s32 @!p0 $0x88, s6;
	s7 =	simm.s32 @p2 $0x1082  }
0x22: {  	[simem:s7], [sflag:s8] =	dma.local @!p0 [hbm:s6], $0xF7A  }
0x23: {  	s9 =	sor.u32 $0xD0000000, s2;
	s6 =	simm.s32 $0x108;
	_ =	swait.ge @!p0 [sflag:s8], $0x0  }
0x24: {  	s3 =	sadd.s32 $0x88, s3;
	s6 =	simm.s32 @!p1 $0x1082;
	[sflag:s4] =	ssyncset.s32 $0xFFFFF086  }
0x25: {  	[simem:s6], [sflag:s4] =	dma.local [hbm:s3], $0xF7A  }
0x26: {  	[smem:$0x3F91] =	sst s1;
	(tag) =	ssettag s2;
	_ =	strace s9  }
0x27: {  	s1 =	sld [smem:$0x3FA1]  }
0x28: {  	s2 =	sld [smem:$0x3FA2]  }
0x29: {  	s4 =	sld [smem:$0x3FA4]  }
0x2a: {  	p0 =	seq.s32 s5, $0x0;
	s5 =	sld [smem:$0x3FA5]  }
0x2b: {  	s6 =	sld [smem:$0x3FA6]  }
0x2c: {  	s7 =	sld [smem:$0x3FA7]  }
0x2d: {  	s3 =	simm.s32 $0x108;
	s8 =	sld [smem:$0x3FA8]  }
0x2e: {  	s3 =	simm.s32 @!p0 $0x1082;
	s9 =	sld [smem:$0x3FA9]  }
0x2f: {  	lr =	sadd.s32 s0, s3;
	s0 =	sld [smem:$0x3FA0]  }
0x30: {  	s3 =	sld [smem:$0x3FA3]  }
0x31: {  	[smem:$0x3FAC] =	sst s10  }
0x32: {  	s10 =	sld [smem:$0x3FAA];
	_ =	sdelay $0x3  }
0x33: {  	p0 =	seq.s32 s10, $0x1;
	s10 =	sld [smem:$0x3FAC];
	_ =	sdelay $0x3  }
0x34: {  	[smem:$0x3FAC] =	sst s10  }
0x35: {  	s10 =	sld [smem:$0x3FAB];
	_ =	sdelay $0x3  }
0x36: {  	p1 =	seq.s32 s10, $0x1;
	s10 =	sld [smem:$0x3FAC];
	_ =	sdelay $0x3  }
0x37: {  	[smem:$0x3FAC] =	sst s10  }
0x38: {  	s10 =	sld [smem:$0x3FAD]  }
0x39: {  	_ = 	snop;
	(pc) =	sbr.ind lr, $3  }
0x3a: {  	_ = 	snop  }
0x3b: {  	_ = 	snop  }
0x3c: {  	p2 =	seq.s32 s10, $0x1;
	s10 =	sld [smem:$0x3FAC]  }
0x3d: {  	_ =	shalt  }
0x3e: {  	_ =	shalt  }
0x3f: {  	_ =	shalt  }
0x40: {  	_ =	shalt  }
0x41: {  	_ =	shalt  }
0x42: {  	_ =	shalt  }
0x43: {  	_ =	shalt  }
0x44: {  	_ =	shalt  }
0x45: {  	_ =	shalt  }
0x46: {  	_ =	shalt  }
0x47: {  	_ =	shalt  }
0x48: {  	_ =	shalt  }
0x49: {  	_ =	shalt  }
0x4a: {  	_ =	shalt  }
0x4b: {  	_ =	shalt  }
0x4c: {  	_ =	shalt  }
0x4d: {  	_ =	shalt  }
0x4e: {  	_ =	shalt  }
0x4f: {  	_ =	shalt  }
0x50: {  	_ =	shalt  }
0x51: {  	_ =	shalt  }
0x52: {  	_ =	shalt  }
0x53: {  	_ =	shalt  }
0x54: {  	_ =	shalt  }
0x55: {  	_ =	shalt  }
0x56: {  	_ =	shalt  }
0x57: {  	_ =	shalt  }
0x58: {  	_ =	shalt  }
0x59: {  	_ =	shalt  }
0x5a: {  	_ =	shalt  }
0x5b: {  	_ =	shalt  }
0x5c: {  	_ =	shalt  }
0x5d: {  	_ =	shalt  }
0x5e: {  	_ =	shalt  }
0x5f: {  	_ =	shalt  }
0x60: {  	_ =	shalt  }
0x61: {  	_ =	shalt  }
0x62: {  	_ =	shalt  }
0x63: {  	_ =	shalt  }
0x64: {  	_ =	shalt  }
0x65: {  	_ =	shalt  }
0x66: {  	_ =	shalt  }
0x67: {  	_ =	shalt  }
0x68: {  	_ =	shalt  }
0x69: {  	_ =	shalt  }
0x6a: {  	_ =	shalt  }
0x6b: {  	_ =	shalt  }
0x6c: {  	_ =	shalt  }
0x6d: {  	_ =	shalt  }
0x6e: {  	_ =	shalt  }
0x6f: {  	_ =	shalt  }
0x70: {  	_ =	shalt  }
0x71: {  	_ =	shalt  }
0x72: {  	_ =	shalt  }
0x73: {  	_ =	shalt  }
0x74: {  	_ =	shalt  }
0x75: {  	_ =	shalt  }
0x76: {  	_ =	shalt  }
0x77: {  	_ =	shalt  }
0x78: {  	_ =	shalt  }
0x79: {  	_ =	shalt  }
0x7a: {  	_ =	shalt  }
0x7b: {  	_ =	shalt  }
0x7c: {  	_ =	shalt  }
0x7d: {  	_ =	shalt  }
0x7e: {  	_ =	shalt  }
0x7f: {  	_ =	shalt  }
0x80: {  	_ =	shalt  }
0x81: {  	_ =	shalt  }
0x82: {  	_ =	shalt  }
0x83: {  	_ =	shalt  }
0x84: {  	_ =	shalt  }
0x85: {  	_ =	shalt  }
0x86: {  	_ =	shalt  }
0x87: {  	_ =	shalt  }
.Lfunc_end0:
.L_simem_size_0:
called_computation_lowered:
.L_overlay_start_0:
0x88: {  	s0 =	sld [smem:$0x3FD9]  }
0x89: {  	s1 =	sld [smem:$0x3FFE];
	_ =	sdelay $0x3  }
0x8a: {  	s0 =	sadd.s32 s1, s0  }
0x8b: {  	[smem:$0x3FB8] =	sst s0  }
0x8c: {  	_ = 	snop  }
0x8d: {  	s0 =	sld [smem:$0x3FC9];
	(tm) =	ssettm $0x1  }
0x8e: {  	s16 =	sld [smem:$0x3FFB];
	_ =	sdelay $0x3  }
0x8f: {  	_ =	strace s16  }
0x90: {  	s1 =	sld [smem:$0x3FFC];
	_ =	sdelay $0x3  }
0x91: {  	_ =	strace s1  }
0x92: {  	s1 =	sld [smem:$0x3FFD];
	_ =	sdelay $0x3  }
0x93: {  	_ =	strace s1  }
0x94: {  	_ =	strace $0x8FFFFFFF  }
0x95: {  	s17 =	sld [smem:$0x3FDB];
	_ =	sdelay $0x1  }
0x96: {  	s2 =	simm.s32 $_scs_section_size  }
0x97: {  	s3 =	simm.s32 $_size__tile_overlayer_lowered;
	s4 =	simm.s32 $_tile_overlayer_lowered  }
0x98: {  	s20 =	simm.s32 $0x1BFF;
	s19 =	sshll.u32 s4, $0x1;
	s1 =	sadd.s32 s2, s17  }
0x99: {  	s5 =	simm.s32 $0x0;
	s18 =	sshll.u32 s3, $0x1;
	s3 =	sadd.s32 s19, s1  }
0x9a: {  	[timem:s5], [sflag:s20] =	dma.local [hbm:s3], s18  }
0x9b: {  	_ =	swait.ge [sflag:s20], s18  }
0x9c: {  	s2 =	ssub.s32 $0x0, s18;
	[sflag:s20] =	ssyncset.done $0x0  }
0x9d: {  	[sflag:s20] =	ssyncadd.s32 s2;
	_ =	sdelay $0x1  }
0x9e: {  	s21 =	simm.s32 $0x1B8B  }
0x9f: {  	_ =	swait.ge [sflag:s21], $0x1  }
0xa0: {  	[sflag:s21] =	ssyncset.done $0x0  }
0xa1: {  	s23 =	simm.s32 $0x1B8E;
	s22 =	sld [smem:$0x3FFE];
	[sflag:s21] =	ssyncadd.s32 $0xFFFFFFFF  }
0xa2: {  	s24 =	simm.s32 $execute0_lowered;
	[smem:$0x3FD2] =	sst s23  }
0xa3: {  	s3 =	sshll.u32 s24, $0x1;
	_ =	strace $0x80000046;
	[dreg:$0x1] =	wrdreg $0xFFFFFFFF  }
0xa4: {  	s25 =	simm.s32 $_size_execute0_lowered;
	s1 =	sadd.s32 s1, s3;
	[dreg:$0x0] =	wrdreg $0x0  }
0xa5: {  	s3 =	sshll.u32 s25, $0x1;
	[dreg:$0x2] =	wrdreg s1  }
0xa6: {  	[dreg:$0x3] =	wrdreg s3  }
0xa7: {  	[dreg:$0x4] =	wrdreg $0xC0  }
0xa8: {  	_ =	task [dreg:s5], $0x5FFFF  }
0xa9: {  	[dreg:$0x1] =	wrdreg $0xFFFFFFFF  }
0xaa: {  	[dreg:$0x0] =	wrdreg $0x60  }
0xab: {  	[dreg:$0x2] =	wrdreg s22  }
0xac: {  	[dreg:$0x3] =	wrdreg s0  }
0xad: {  	[dreg:$0x4] =	wrdreg $0xD800  }
0xae: {  	[dreg:$0x5] =	wrdreg $0xDA00  }
0xaf: {  	[dreg:$0x6] =	wrdreg $0x9  }
0xb0: {  	_ =	task.clear_ibuf [dreg:s5], $0x7FFFF;
	_ =	strace $0x90000046  }
0xb1: {  	s26 =	simm.s32 $0x9;
	_ =	strace $0x80000048  }
0xb2: {  	_ =	swait.ge [sflag:s26], $0x1  }
0xb3: {  	[sflag:s26] =	ssyncadd.s32 $0xFFFFFFFF  }
0xb4: {  	_ =	strace $0x90000048  }
0xb5: {  	_ =	sfence  }
0xb6: {  	s28 =	sld [smem:$0x0];
	_ =	sdelay $0x1  }
0xb7: {  	s29 =	srdreg.scid  }
0xb8: {  	s30 =	sshll.u32 s29, $0xD;
	s31 =	sshrl.u32 s29, $0x2  }
0xb9: {  	s2 =	sand.u32 $0x4000, s30;
	s1 =	sand.u32 $0x1, s29;
	s0 =	sadd.s32 s31, s28  }
0xba: {  	s1 =	sor.u32 s2, s1;
	s0 =	sshll.u32 s0, $0x11  }
0xbb: {  	s0 =	sor.u32 s0, s1  }
0xbc: {  	s0 =	sadd.s32 $0x8F2B, s0  }
0xbd: {  	[sflag:s0] =	ssyncadd.remote.s32 $0x1  }
0xbe: {  	_ =	sfence.sel $0xFFFF  }
0xbf: {  	[dreg:$0x0] =	wrdreg $0xFFFFFFFF;
	(pc) =	sbr.abs _section_cstart, $3  }
0xc0: {  	[dreg:$0x1] =	wrdreg $0xFFFFFFFF  }
0xc1: {  	_ =	task.clear_ibuf [dreg:s5], $0x2FFFF;
	_ =	strace $0x9FFFFFFF  }
0xc2: {  	(tm) =	ssettm $0x7FFFFFFF  }
0xc3: {  	_ =	shalt  }
tec
execute0_lowered:
.L_overlay_start_1:
0x0: {  	(tag) =	ssettag $0x1  }
0x1: {  	s2 =	rddreg [dreg:$0x0]  }
0x2: {  	s1 =	rddreg [dreg:$0x1];
	s5 =	stileid.u32  }
0x3: {  	s4 =	rddreg [dreg:$0x2];
	s6 =	smul.u32 $0xC80, s5  }
0x4: {  	s3 =	rddreg [dreg:$0x3]  }
0x5: {  	s0 =	rddreg [dreg:$0x4];
	s7 =	simm.s32 $0x0;
	s8 =	sshrl.u32 s6, $0x3  }
0x6: {  	[smem:$0x7FF] =	sst s7;
	s8 =	sadd.s32 s8, s2  }
0x7: {  	v0 =	vlaneseq.u32;
	s28 =	simm.s32 $0x2;
	_ =	strace $0x80000047;
	s8 =	sadd.s32 $0x2200, s8  }
0x8: {  	v2 =	vor.u32 s6, v0;
	[tilespmem:s7], [sflag:$0x2] =	stream.linear.gather [hbm4b:s8+s7], $0xC80, $0x38;
	[tilespmem:$0x52C0] =	vst v63  }
0x9: {  	v3 =	vmov s6;
	v1 =	vand.u32 $0x7FF, v2;
	_ =	swait.ge [sflag:s28], $0xC80  }
0xa: {  	vm0 =	veq.s32 v3, v0;
	vm1 =	vne.s32 v1, $0x0;
	[sflag:s28] =	ssyncset.done $0x0  }
0xb: {  	s29 =	simm.s32 $0x0;
	v1 =	vimm.s32 $0x0;
	vm0 =	vmand vm0, vm1;
	[sflag:s28] =	ssyncadd.s32 $0xFFFFF380  }
0xc: {  	v3 =	vshrl.u32 v3, $0xB;
	v5 =	vsel vm0, $0xFFFFFFFF, v1;
	v4 =	vld [tilespmem:s29+$0x0]  }
0xd: {  	v3 =	vadd.s32 v5, v3  }
0xe: {  	v5 =	vshll.u32 v3, $0xB  }
0xf: {  	v3 =	vmul.u32 $0xFFFFFFD0, v3;
	v5 =	vsub.s32 v2, v5  }
0x10: {  	vm8 =	vlt.s32 v5, $0x7D0  }
0x11: {  	v2 =	vadd.s32 v2, v3;
	v3 =	vnsel vm8, $0xFF61B1E6, v4  }
0x12: {  	(xrf1) =	vsort.ascd.msk.f32 $0xffff, v3, v2;
	v3 =	vnsel vm8, $0x7F61B1E6, v4  }
0x13: {  	(xrf1) =	vsort.dscd.msk.f32 $0xffff, v3, v2;
	_ =	sdelay $0x1  }
0x14: {  	s6 =	sadd.s32 $0x10, s6  }
0x15: {  	v2 =	vor.u32 s6, v0  }
0x16: {  	v3 =	vmov s6;
	v4 =	vand.u32 $0x7FF, v2  }
0x17: {  	vm9 =	veq.s32 v3, v0;
	vm10 =	vne.s32 v4, $0x0  }
0x18: {  	s30 =	simm.s32 $0x10;
	vm0 =	vmand vm9, vm10  }
0x19: {  	v3 =	vshrl.u32 v3, $0xB;
	v4 =	vld [tilespmem:s30+$0x0];
	v5 =	vsel vm0, $0xFFFFFFFF, v1  }
0x1a: {  	v3 =	vadd.s32 v5, v3  }
0x1b: {  	v5 =	vshll.u32 v3, $0xB  }
0x1c: {  	v3 =	vmul.u32 $0xFFFFFFD0, v3;
	v5 =	vsub.s32 v2, v5  }
0x1d: {  	vm11 =	vlt.s32 v5, $0x7D0  }
0x1e: {  	v3 =	vadd.s32 v2, v3;
	v5 =	vnsel vm11, $0xFF61B1E6, v4  }
0x1f: {  	v6 =	vimm.f32 $-3.000000010e+38;
	v4 =	vnsel vm11, $0x7F61B1E6, v4;
	v8, v9, _ =	vpop (xrf1);
	(xrf1) =	vsort.ascd.msk.f32 $0xffff, v5, v3  }
0x20: {  	v7 =	vimm.f32 $3.000000010e+38;
	vm12 =	vgt.f32 v8, v6;
	v62, v10, _ =	vpop (xrf1);
	(xrf1) =	vsort.dscd.msk.f32 $0xffff, v4, v3  }
0x21: {  	v6 =	vsel vm12, v8, v6;
	v5 =	vsel vm12, v9, v1;
	vm13 =	vlt.f32 v62, v7  }
0x22: {  	v3 =	vsel vm13, v62, v7;
	v4 =	vsel vm13, v10, v1;
	(xrf1) =	vsort.dscd.msk.f32 $0xffff, v6, v5  }
0x23: {  	(xrf1) =	vsort.ascd.msk.f32 $0xffff, v3, v4;
	_ =	sdelay $0x1  }
0x24: {  	s6 =	sadd.s32 $0x10, s6  }
0x25: {  	v2 =	vor.u32 s6, v0  }
0x26: {  	v63 =	vmov s6;
	v11 =	vand.u32 $0x7FF, v2  }
0x27: {  	vm14 =	veq.s32 v63, v0;
	vm2 =	vne.s32 v11, $0x0  }
0x28: {  	s31 =	simm.s32 $0x20;
	vm15 =	vmand vm14, vm2  }
0x29: {  	s2 =	sadd.s32 $0x6E00, s2;
	s7 =	simm.s32 $0xC0;
	v5 =	vsel vm15, $0xFFFFFFFF, v1;
	v3 =	vld [tilespmem:s31+$0x0];
	v4 =	vshrl.u32 v63, $0xB  }
.LBB2_1:
0x2a: {  	p0 =	sne.s32 s7, $0x31C0;
	v4 =	vadd.s32 v5, v4  }
0x2b: {  	v10 =	vshll.u32 v4, $0xB  }
0x2c: {  	v12 =	vmul.u32 $0xFFFFFFD0, v4;
	v13 =	vsub.s32 v2, v10;
	v6, v7, _ =	vpop (xrf1)  }
0x2d: {  	vm0 =	vlt.s32 v13, $0x7D0;
	v5, v8, _ =	vpop (xrf1)  }
0x2e: {  	v12 =	vadd.s32 v2, v12;
	v10 =	vnsel vm0, $0xFF61B1E6, v3  }
0x2f: {  	v11 =	vnsel vm0, $0x7F61B1E6, v3;
	(xrf1) =	vsort.ascd.msk.f32 $0xffff, v10, v12;
	v4, v9, _ =	vpop (xrf1)  }
0x30: {  	(xrf1) =	vsort.dscd.msk.f32 $0xffff, v11, v12;
	vm0 =	vgt.f32 v6, v4;
	v2, v3, _ =	vpop (xrf1)  }
0x31: {  	v4 =	vsel vm0, v6, v4;
	v6 =	vsel vm0, v7, v9;
	vm0 =	vlt.f32 v5, v2  }
0x32: {  	v2 =	vsel vm0, v5, v2;
	v3 =	vsel vm0, v8, v3;
	(xrf1) =	vsort.dscd.msk.f32 $0xffff, v4, v6  }
0x33: {  	(xrf1) =	vsort.ascd.msk.f32 $0xffff, v2, v3;
	_ =	sdelay $0x1  }
0x34: {  	s6 =	sadd.s32 $0x10, s6  }
.Ltmp0:
0x35: {  	v2 =	vor.u32 s6, v0;
	(pc) =	sbr.rel @p0 .LBB2_1-.Ltmp0, $4  }
0x36: {  	v4 =	vmov s6;
	v3 =	vand.u32 $0x7FF, v2  }
0x37: {  	vm0 =	veq.s32 v4, v0;
	vm1 =	vne.s32 v3, $0x0  }
0x38: {  	s8 =	sshra.s32 s7, $0x2;
	vm0 =	vmand vm0, vm1  }
0x39: {  	s7 =	sadd.s32 $0x40, s7;
	v4 =	vshrl.u32 v4, $0xB;
	v5 =	vsel vm0, $0xFFFFFFFF, v1;
	v3 =	vld [tilespmem:s8+$0x0]  }
0x3a: {  	_ = 	snop  }
0x3b: {  	v0 =	vadd.s32 v5, v4  }
0x3c: {  	v1 =	vshll.u32 v0, $0xB  }
0x3d: {  	v0 =	vmul.u32 $0xFFFFFFD0, v0;
	v1 =	vsub.s32 v2, v1;
	v4, v5, _ =	vpop (xrf1)  }
0x3e: {  	vm0 =	vlt.s32 v1, $0x7D0;
	v45, v6, _ =	vpop (xrf1)  }
0x3f: {  	v0 =	vadd.s32 v2, v0;
	v46 =	vnsel vm0, $0xFF61B1E6, v3;
	v7, v8, _ =	vpop (xrf1)  }
0x40: {  	v47 =	vnsel vm0, $0x7F61B1E6, v3;
	(xrf1) =	vsort.ascd.msk.f32 $0xffff, v46, v0;
	vm12 =	vgt.f32 v4, v7  }
0x41: {  	(xrf1) =	vsort.dscd.msk.f32 $0xffff, v47, v0;
	v48 =	vsel vm12, v4, v7;
	v49 =	vsel vm12, v5, v8  }
0x42: {  	v50, v51, _ =	vpop (xrf1);
	(xrf1) =	vsort.dscd.msk.f32 $0xffff, v48, v49  }
0x43: {  	vm13 =	vlt.f32 v45, v50  }
0x44: {  	v52 =	vsel vm13, v45, v50;
	v53 =	vsel vm13, v6, v51  }
0x45: {  	(xrf1) =	vsort.ascd.msk.f32 $0xffff, v52, v53;
	_ =	sdelay $0x8  }
0x46: {  	v0, v1, _ =	vpop (xrf1)  }
0x47: {  	v54, v55, _ =	vpop (xrf1)  }
0x48: {  	v57, v56, _ =	vpop (xrf1)  }
0x49: {  	vm14 =	vgt.f32 v0, v57  }
0x4a: {  	v0 =	vsel vm14, v0, v57;
	v1 =	vsel vm14, v1, v56  }
0x4b: {  	v58, v59, _ =	vpop (xrf1);
	(xrf1) =	vsort.dscd.msk.f32 $0xffff, v0, v1  }
0x4c: {  	vm15 =	vlt.f32 v54, v58  }
0x4d: {  	v60 =	vsel vm15, v54, v58;
	v61 =	vsel vm15, v55, v59  }
0x4e: {  	(xrf1) =	vsort.ascd.msk.f32 $0xffff, v60, v61;
	_ =	sdelay $0xa  }
0x4f: {  	s7 =	sshll.u32 s5, $0x4;
	v0, v1, _ =	vpop (xrf1)  }
0x50: {  	s8 =	simm.s32 $0xC80;
	s6 =	sadd.s32 s7, s4;
	[tilespmem:$0xC80] =	vst v0  }
0x51: {  	[spmem:s6] =	stream.linear.scatter [tilespmem:s8], [sflag:$0x2], $0x10, $0x38;
	[tilespmem:$0x52C0] =	vst v63  }
0x52: {  	v63, v62, _ =	vpop (xrf1);
	s6 =	simm.s32 $0x2  }
0x53: {  	_ =	swait.ge [sflag:s6], $0x10  }
0x54: {  	[sflag:s6] =	ssyncset.done $0x0  }
0x55: {  	[sflag:s6] =	ssyncadd.s32 $0xFFFFFFF0  }
0x56: {  	s10 =	simm.s32 $0xD00;
	s9 =	sadd.s32 s7, s3;
	[tilespmem:$0xD00] =	vst v1  }
0x57: {  	[spmem:s9] =	stream.linear.scatter [tilespmem:s10], [sflag:$0x2], $0x10, $0x38;
	[tilespmem:$0x52C0] =	vst v63  }
0x58: {  	_ =	swait.ge [sflag:s6], $0x10  }
0x59: {  	[sflag:s6] =	ssyncset.done $0x0  }
0x5a: {  	s7 =	sor.u32 $0x100, s7;
	[sflag:s6] =	ssyncadd.s32 $0xFFFFFFF0  }
0x5b: {  	s31 =	sadd.s32 s7, s4;
	[tilespmem:$0xC80] =	vst v63  }
0x5c: {  	[spmem:s31] =	stream.linear.scatter [tilespmem:s8], [sflag:$0x2], $0x10, $0x38;
	[tilespmem:$0x52C0] =	vst v63  }
0x5d: {  	_ =	swait.ge [sflag:s6], $0x10  }
0x5e: {  	[sflag:s6] =	ssyncset.done $0x0  }
0x5f: {  	[sflag:s6] =	ssyncadd.s32 $0xFFFFFFF0  }
0x60: {  	s7 =	sadd.s32 s7, s3;
	[tilespmem:$0xD00] =	vst v62  }
0x61: {  	[spmem:s7] =	stream.linear.scatter [tilespmem:s10], [sflag:$0x2], $0x10, $0x38;
	[tilespmem:$0x52C0] =	vst v63  }
0x62: {  	_ =	swait.ge [sflag:s6], $0x10  }
0x63: {  	[sflag:s6] =	ssyncset.done $0x0  }
0x64: {  	[sflag:s6] =	ssyncadd.s32 $0xFFFFFFF0  }
0x65: {  	p0 =	sne.s32 s5, $0x0;
	[bflag:$0x0] =	sbarrier.arrive $0xFFFF  }
0x66: {  	_ =	sfence.sel @p0 $0x180000  }
0x67: {  	[bflag:$0x0] =	sbarrier.arrive @p0 $0xFFFF  }
0x68: {  	_ =	strace @p0 $0x90000047  }
0x69: {  	[bflag:$0x2] =	sbarrier.arrive @p0 $0xFFFF  }
0x6a: {  	_ =	shalt @p0  }
.LBB2_3:
0x6b: {  	s5 =	simm.s32 $0xDC0  }
0x6c: {  	[tilespmem:s5], [sflag:$0x2] =	stream.linear.gather [spmem:s4], $0x200, $0x38;
	[tilespmem:$0x52C0] =	vst v63  }
0x6d: {  	_ =	swait.ge [sflag:s6], $0x200  }
0x6e: {  	[sflag:s6] =	ssyncset.done $0x0  }
0x6f: {  	s28 =	simm.s32 $0xFC0;
	[sflag:s6] =	ssyncadd.s32 $0xFFFFFE00  }
0x70: {  	[tilespmem:s28], [sflag:$0x2] =	stream.linear.gather [spmem:s3], $0x200, $0x38;
	[tilespmem:$0x52C0] =	vst v63  }
0x71: {  	_ =	swait.ge [sflag:s6], $0x200  }
0x72: {  	[sflag:s6] =	ssyncset.done $0x0  }
0x73: {  	[sflag:s6] =	ssyncadd.s32 $0xFFFFFE00  }
0x74: {  	v0 =	vld [tilespmem:$0xDC0]  }
0x75: {  	s29 =	simm.s32 $0x10;
	v1 =	vld [tilespmem:$0xFC0]  }
0x76: {  	v2 =	vld [tilespmem:s29+$0xDC0]  }
0x77: {  	v3 =	vld [tilespmem:s29+$0xFC0];
	_ =	sdelay $0x3  }
0x78: {  	(xrf1) =	vsort.dscd.msk.f32 $0xffff, v0, v1  }
0x79: {  	(xrf1) =	vsort.ascd.msk.f32 $0xffff, v2, v3;
	_ =	sdelay $0x8  }
0x7a: {  	s30 =	simm.s32 $0x20  }
0x7b: {  	v0 =	vld [tilespmem:s30+$0xDC0]  }
0x7c: {  	v1 =	vld [tilespmem:s30+$0xFC0];
	_ =	sdelay $0x1  }
0x7d: {  	v2, v3, _ =	vpop (xrf1)  }
0x7e: {  	v4, v5, _ =	vpop (xrf1)  }
0x7f: {  	vm0 =	vgt.f32 v4, v2  }
0x80: {  	(xrf1) =	vsort.ascd.msk.f32 $0xffff, v0, v1;
	v1 =	vsel vm0, v4, v2;
	v2 =	vsel vm0, v5, v3  }
0x81: {  	(xrf1) =	vsort.dscd.msk.f32 $0xffff, v1, v2;
	_ =	sdelay $0x8  }
0x82: {  	s31 =	simm.s32 $0x30  }
0x83: {  	s5 =	sadd.s32 $0x200, s1;
	v0 =	vld [tilespmem:s31+$0xDC0]  }
0x84: {  	s4 =	sadd.s32 $0x300, s1;
	s3 =	sadd.s32 $0x100, s1;
	s6 =	simm.s32 $0x100;
	v1 =	vld [tilespmem:s31+$0xFC0]  }
.LBB2_4:
0x85: {  	p0 =	sne.s32 s6, $0x3C0  }
0x86: {  	v2, v3, _ =	vpop (xrf1)  }
0x87: {  	v4, v5, _ =	vpop (xrf1)  }
0x88: {  	vm0 =	vgt.f32 v2, v4  }
0x89: {  	(xrf1) =	vsort.ascd.msk.f32 $0xffff, v0, v1;
	v0 =	vsel vm0, v2, v4;
	v1 =	vsel vm0, v3, v5  }
0x8a: {  	(xrf1) =	vsort.dscd.msk.f32 $0xffff, v0, v1;
	_ =	sdelay $0x6  }
.Ltmp1:
0x8b: {  	(pc) =	sbr.rel @p0 .LBB2_4-.Ltmp1, $4  }
0x8c: {  	_ = 	snop  }
0x8d: {  	s7 =	sshra.s32 s6, $0x2  }
0x8e: {  	v0 =	vld [tilespmem:s7+$0xDC0]  }
0x8f: {  	s6 =	sadd.s32 $0x40, s6;
	v1 =	vld [tilespmem:s7+$0xFC0]  }
0x90: {  	_ = 	snop  }
0x91: {  	v2, v3, _ =	vpop (xrf1)  }
0x92: {  	v4, v5, _ =	vpop (xrf1)  }
0x93: {  	vm0 =	vgt.f32 v2, v4  }
0x94: {  	(xrf1) =	vsort.ascd.msk.f32 $0xffff, v0, v1;
	v0 =	vsel vm0, v2, v4;
	v1 =	vsel vm0, v3, v5  }
0x95: {  	(xrf1) =	vsort.dscd.msk.f32 $0xffff, v0, v1;
	_ =	sdelay $0x9  }
0x96: {  	s6 =	simm.s32 $0x0  }
0x97: {  	v59 =	vld [tilespmem:s6+$0xED0]  }
0x98: {  	v0 =	vld [tilespmem:$0xEC0]  }
0x99: {  	v1 =	vld [tilespmem:$0x10C0];
	v2, v3, _ =	vpop (xrf1)  }
0x9a: {  	v7 =	vld [tilespmem:s6+$0x10D0];
	v60, v6, _ =	vpop (xrf1)  }
0x9b: {  	vm14 =	vgt.f32 v2, v60  }
0x9c: {  	v2 =	vsel vm14, v2, v60;
	v3 =	vsel vm14, v3, v6  }
0x9d: {  	(xrf1) =	vsort.dscd.msk.f32 $0xffff, v2, v3  }
0x9e: {  	(xrf1) =	vsort.ascd.msk.f32 $0xffff, v0, v1  }
0x9f: {  	(xrf1) =	vsort.dscd.msk.f32 $0xffff, v59, v7;
	_ =	sdelay $0x8  }
0xa0: {  	s30 =	simm.s32 $0x10  }
0xa1: {  	v2 =	vld [tilespmem:s30+$0x10D0]  }
0xa2: {  	v1 =	vld [tilespmem:s30+$0xED0]  }
0xa3: {  	v3, v0, _ =	vpop (xrf1)  }
0xa4: {  	v3, v61, _ =	vpop (xrf1)  }
0xa5: {  	v62, v63, _ =	vpop (xrf1)  }
0xa6: {  	vm15 =	vlt.f32 v62, v3  }
0xa7: {  	(xrf1) =	vsort.dscd.msk.f32 $0xffff, v1, v2;
	v2 =	vsel vm15, v62, v3;
	v3 =	vsel vm15, v63, v61  }
0xa8: {  	(xrf1) =	vsort.ascd.msk.f32 $0xffff, v2, v3;
	_ =	sdelay $0x8  }
0xa9: {  	s31 =	simm.s32 $0x20  }
0xaa: {  	v1 =	vld [tilespmem:s31+$0xED0]  }
0xab: {  	s6 =	simm.s32 $0xC0;
	v2 =	vld [tilespmem:s31+$0x10D0]  }
.LBB2_6:
0xac: {  	p0 =	sne.s32 s6, $0x380  }
0xad: {  	v3, v4, _ =	vpop (xrf1)  }
0xae: {  	v5, v6, _ =	vpop (xrf1)  }
0xaf: {  	vm0 =	vlt.f32 v3, v5  }
0xb0: {  	(xrf1) =	vsort.dscd.msk.f32 $0xffff, v1, v2;
	v1 =	vsel vm0, v3, v5;
	v2 =	vsel vm0, v4, v6  }
0xb1: {  	(xrf1) =	vsort.ascd.msk.f32 $0xffff, v1, v2;
	_ =	sdelay $0x6  }
.Ltmp2:
0xb2: {  	(pc) =	sbr.rel @p0 .LBB2_6-.Ltmp2, $4  }
0xb3: {  	_ = 	snop  }
0xb4: {  	s7 =	sshra.s32 s6, $0x2  }
0xb5: {  	v1 =	vld [tilespmem:s7+$0xED0]  }
0xb6: {  	s6 =	sadd.s32 $0x40, s6;
	v2 =	vld [tilespmem:s7+$0x10D0]  }
0xb7: {  	_ = 	snop  }
0xb8: {  	v3, v4, _ =	vpop (xrf1)  }
0xb9: {  	v5, v6, _ =	vpop (xrf1)  }
0xba: {  	vm0 =	vlt.f32 v3, v5  }
0xbb: {  	(xrf1) =	vsort.dscd.msk.f32 $0xffff, v1, v2;
	v55 =	vsel vm0, v3, v5;
	v56 =	vsel vm0, v4, v6  }
0xbc: {  	(xrf1) =	vsort.ascd.msk.f32 $0xffff, v55, v56;
	_ =	sdelay $0xc  }
0xbd: {  	v1, v2, _ =	vpop (xrf1)  }
0xbe: {  	v57, v58, _ =	vpop (xrf1)  }
0xbf: {  	vm14 =	vlt.f32 v1, v57  }
0xc0: {  	v1 =	vsel vm14, v1, v57;
	v2 =	vsel vm14, v2, v58  }
0xc1: {  	(xrf1) =	vsort.ascd.msk.f32 $0xffff, v1, v2;
	_ =	sdelay $0xd  }
0xc2: {  	[tilespmem:$0x11C0] =	vst v0;
	v1, v2, _ =	vpop (xrf1)  }
0xc3: {  	[tilespmem:$0x11C8] =	vst v2  }
0xc4: {  	v0 =	vld [tilespmem:$0x11C0];
	_ =	sdelay $0x4  }
0xc5: {  	v1 =	vshll.u32 v0, $0x3  }
0xc6: {  	v60 =	vlaneseq.u32;
	v59 =	vand.u32 $0x7, v0;
	v1 =	vand.u32 $0xFFFFFFC0, v1  }
0xc7: {  	v61 =	vand.u32 $0x7, v60;
	v62 =	vshrl.u32 v60, $0x3;
	v1 =	vor.u32 v59, v1  }
0xc8: {  	v4 =	vmul.u32 $0x8, v62;
	v2 =	vperm.xlane v1, v61;
	_ =	sdelay $0x1  }
0xc9: {  	v2 =	vadd.s32 v4, v2;
	_ =	sdelay $0x3  }
0xca: {  	vm15 =	vmmov $0xffff;
	s6 =	simm.s32 $0x0;
	s7 =	simm.s32 $0x12C0;
	[tilespmem:$0x1240] =	vst v0  }
0xcb: {  	v63 =	vor.u32 $0x8, v60;
	[tilespmem:s7], [sflag:$0x1] =	stream.indirect_vreg.gather [hbm4b:s1+s6], $0x80, v2, vm15, $0xb8;
	[tilespmem:$0x52C0] =	vst v63  }
0xcc: {  	s8 =	simm.s32 $0x1AC0;
	v0 =	vperm.xlane v1, v63  }
0xcd: {  	[tilespmem:s8], [sflag:$0x1] =	stream.indirect_vreg.gather [hbm4b:s3+s6], $0x80, v2, vm15, $0xb8;
	[tilespmem:$0x52C0] =	vst v63  }
0xce: {  	s23 =	simm.s32 $0x22C0;
	v0 =	vadd.s32 v4, v0  }
0xcf: {  	[tilespmem:s23], [sflag:$0x1] =	stream.indirect_vreg.gather [hbm4b:s5+s6], $0x80, v2, vm15, $0xb8;
	[tilespmem:$0x52C0] =	vst v63  }
0xd0: {  	s24 =	simm.s32 $0x2AC0  }
0xd1: {  	[tilespmem:s24], [sflag:$0x1] =	stream.indirect_vreg.gather [hbm4b:s4+s6], $0x80, v2, vm15, $0xb8;
	[tilespmem:$0x52C0] =	vst v63  }
0xd2: {  	s25 =	simm.s32 $0x32C0  }
0xd3: {  	[tilespmem:s25], [sflag:$0x1] =	stream.indirect_vreg.gather [hbm4b:s1+s6], $0x80, v0, vm15, $0xb8;
	[tilespmem:$0x52C0] =	vst v63  }
0xd4: {  	s26 =	simm.s32 $0x3AC0  }
0xd5: {  	[tilespmem:s26], [sflag:$0x1] =	stream.indirect_vreg.gather [hbm4b:s3+s6], $0x80, v0, vm15, $0xb8;
	[tilespmem:$0x52C0] =	vst v63  }
0xd6: {  	s28 =	simm.s32 $0x42C0  }
0xd7: {  	[tilespmem:s28], [sflag:$0x1] =	stream.indirect_vreg.gather [hbm4b:s5+s6], $0x80, v0, vm15, $0xb8;
	[tilespmem:$0x52C0] =	vst v63  }
0xd8: {  	s29 =	simm.s32 $0x4AC0;
	s30 =	simm.s32 $0x1  }
0xd9: {  	[tilespmem:s29], [sflag:$0x1] =	stream.indirect_vreg.gather [hbm4b:s4+s6], $0x80, v0, vm15, $0xb8;
	[tilespmem:$0x52C0] =	vst v63  }
0xda: {  	_ =	swait.ge [sflag:s30], $0x4000  }
0xdb: {  	[sflag:s30] =	ssyncset.done $0x0  }
0xdc: {  	s31 =	simm.s32 $0x2;
	[sflag:s30] =	ssyncadd.s32 $0xFFFFC000  }
0xdd: {  	[hbm4b:s2+s6] =	stream.linear.scatter [tilespmem:s7], [sflag:$0x2], $0x4000, $0x38;
	[tilespmem:$0x52C0] =	vst v63  }
0xde: {  	_ =	swait.ge [sflag:s31], $0x4000  }
0xdf: {  	[sflag:s31] =	ssyncset.done $0x0  }
0xe0: {  	[sflag:s31] =	ssyncadd.s32 $0xFFFFC000  }
0xe1: {  	_ =	sfence.sel $0x180000  }
0xe2: {  	[bflag:$0x0] =	sbarrier.arrive $0xFFFF  }
0xe3: {  	_ =	strace $0x90000047  }
0xe4: {  	s0 =	sadd.s32 $0x100000, s0;
	[bflag:$0x2] =	sbarrier.arrive $0xFFFF  }
0xe5: {  	[sflag:s0] =	ssyncadd.tile.s32 $0x1;
	_ =	shalt  }
.Lfunc_end2:
_tile_overlayer_lowered:
.L_overlay_start_2:
0xe6: {  	(tag) =	ssettag $0x2  }
0xe7: {  	s0 =	rddreg [dreg:$0x0];
	s2 =	stileid.u32  }
0xe8: {  	s1 =	rddreg [dreg:$0x1];
	p0 =	sne.s32 s2, $0x0  }
0xe9: {  	s3 =	rddreg [dreg:$0x2];
	[bflag:$0x3] =	sbarrier.arrive $0xFFFF;
	s2 =	simm.s32 @!p0 $0x1C02  }
0xea: {  	[timem:s3], [sflag:s2] =	dma.local @!p0 [hbm:s0], s1  }
0xeb: {  	s0 =	simm.s32 @!p0 $0x2  }
0xec: {  	_ =	swait.ge @!p0 [sflag:s0], s1  }
0xed: {  	s1 =	ssub.s32 @!p0 $0x0, s1;
	[sflag:s0] =	ssyncset.done @!p0 $0x0  }
0xee: {  	[sflag:s0] =	ssyncadd.s32 @!p0 s1  }
0xef: {  	[bflag:$0x3] =	sbarrier.arrive $0xFFFF  }
0xf0: {  	_ =	shalt  }

</sc_bundles>
